<compile_context>
chip_gen: v7x
topology: tpu7x:2x2x1
jax: 0.10.2.dev20260603
libtpu: 0.0.44.dev20260713+nightly
codegen_flags: <defaults>
</compile_context>

<pallas_src>
import functools

import jax
import jax.numpy as jnp
from jax import lax
from jax.experimental import pallas as pl
from jax.experimental.pallas import tpu as pltpu
from jax.experimental.pallas import tpu_sc as plsc

_EPS = 1e-6




def _make_cc_body(H, W):
    SENT = H * W

    def shift_up(x, fill):
        return jnp.concatenate(
            [x[1:, :], jnp.full((1, W), fill, x.dtype)], axis=0)

    def shift_down(x, fill):
        return jnp.concatenate(
            [jnp.full((1, W), fill, x.dtype), x[:-1, :]], axis=0)

    def shift_left(x, fill):
        return jnp.concatenate(
            [x[:, 1:], jnp.full((H, 1), fill, x.dtype)], axis=1)

    def shift_right(x, fill):
        return jnp.concatenate(
            [jnp.full((H, 1), fill, x.dtype), x[:, :-1]], axis=1)

    def body(p_ref, t_ref, lbl_ref, iv_ref, dv_ref, root_ref):
        p = p_ref[0]
        t = t_ref[0]
        fg = (p + t) > 0.0

        rows = lax.broadcasted_iota(jnp.int32, (H, W), 0)
        cols = lax.broadcasted_iota(jnp.int32, (H, W), 1)
        flat = rows * W + cols
        labels0 = jnp.where(fg, flat, SENT)

        BIGP = 1 << 28
        one = jnp.int32(1)
        fgi = jnp.where(fg, one, jnp.int32(0))
        rU1 = fgi * shift_down(fgi, 0)
        rD1 = fgi * shift_up(fgi, 0)
        rL1 = fgi * shift_right(fgi, 0)
        rR1 = fgi * shift_left(fgi, 0)
        rU2 = rU1 * shift_down(rU1, 0)
        rD2 = rD1 * shift_up(rD1, 0)
        rL2 = rL1 * shift_right(rL1, 0)
        rR2 = rR1 * shift_left(rR1, 0)
        pU1 = (one - rU1) * BIGP
        pD1 = (one - rD1) * BIGP
        pL1 = (one - rL1) * BIGP
        pR1 = (one - rR1) * BIGP
        pU2 = (one - rU2) * BIGP
        pD2 = (one - rD2) * BIGP
        pL2 = (one - rL2) * BIGP
        pR2 = (one - rR2) * BIGP

        def shift2_down(x, fill):
            return jnp.concatenate(
                [jnp.full((2, W), fill, x.dtype), x[:-2, :]], axis=0)

        def shift2_up(x, fill):
            return jnp.concatenate(
                [x[2:, :], jnp.full((2, W), fill, x.dtype)], axis=0)

        def shift2_right(x, fill):
            return jnp.concatenate(
                [jnp.full((H, 2), fill, x.dtype), x[:, :-2]], axis=1)

        def shift2_left(x, fill):
            return jnp.concatenate(
                [x[:, 2:], jnp.full((H, 2), fill, x.dtype)], axis=1)

        def cc_cond(st):
            return st[1]

        def cc_body(st):
            v, _ = st
            v0 = v
            v = jnp.minimum(v, shift_right(v, SENT) + pL1)
            v = jnp.minimum(v, shift_left(v, SENT) + pR1)
            v = jnp.minimum(v, shift2_right(v, SENT) + pL2)
            v = jnp.minimum(v, shift2_left(v, SENT) + pR2)
            v = jnp.minimum(v, shift_down(v, SENT) + pU1)
            v = jnp.minimum(v, shift_up(v, SENT) + pD1)
            v = jnp.minimum(v, shift2_down(v, SENT) + pU2)
            v = jnp.minimum(v, shift2_up(v, SENT) + pD2)
            return v, jnp.any(v != v0)

        labels, _ = lax.while_loop(cc_cond, cc_body,
                                   (labels0, jnp.array(True)))

        zero = jnp.float32(0.0)
        lbl_ref[0] = jnp.where(fg, labels, flat)
        iv_ref[0] = jnp.where(fg, p * t, zero)
        dv_ref[0] = jnp.where(fg, p * t + 2.0 - p - t, zero)
        root_ref[0] = jnp.where(fg & (labels == flat), jnp.float32(1.0), zero)

    return body


def _cc_stage(pred, target):
    B, H, W = pred.shape
    body = _make_cc_body(H, W)
    spec = pl.BlockSpec((1, H, W), lambda b: (b, 0, 0))
    f32 = jnp.float32
    return pl.pallas_call(
        body,
        grid=(B,),
        in_specs=[spec, spec],
        out_specs=[spec, spec, spec, spec],
        out_shape=[
            jax.ShapeDtypeStruct((B, H, W), jnp.int32),
            jax.ShapeDtypeStruct((B, H, W), f32),
            jax.ShapeDtypeStruct((B, H, W), f32),
            jax.ShapeDtypeStruct((B, H, W), f32),
        ],
    )(pred, target)




def _make_sc_segment_reduce(B, N):
    NT = 16
    NC = 2
    IPC = B // NC
    PPT = N // NT
    NROW = PPT // 128
    RCH = PPT // 2
    NCH = PPT // RCH

    mesh = plsc.VectorSubcoreMesh(core_axis_name="c", subcore_axis_name="s")

    @functools.partial(
        pl.kernel,
        mesh=mesh,
        out_type=jax.ShapeDtypeStruct((B, NT, 2, 16), jnp.float32),
        scratch_types=[
            pltpu.VMEM((NROW, 128), jnp.int32),
            pltpu.VMEM((NROW, 128), jnp.float32),
            pltpu.VMEM((NROW, 128), jnp.float32),
            pltpu.VMEM((RCH,), jnp.float32),
            pltpu.VMEM((RCH,), jnp.float32),
            pltpu.VMEM((RCH,), jnp.float32),
            pltpu.VMEM((2, 16), jnp.float32),
            pltpu.VMEM_SHARED((N,), jnp.float32),
            pltpu.VMEM_SHARED((N,), jnp.float32),
            pltpu.SemaphoreType.DMA,
        ],
    )
    def sc_fn(lbl_hbm, iv_hbm, dv_hbm, root_hbm, zero_hbm, out_hbm,
              lbl_v, iv_v, dv_v, binv_i, binv_d, rootv, stage_v,
              bins_i, bins_d, sem):
        c = lax.axis_index("c")
        s = lax.axis_index("s")
        iota16 = lax.iota(jnp.int32, 16)
        fzero = jnp.float32(0.0)

        for im_l in range(IPC):
            im = c * IPC + im_l

            pltpu.sync_copy(zero_hbm, bins_i.at[pl.ds(s * PPT, PPT)])
            pltpu.sync_copy(zero_hbm, bins_d.at[pl.ds(s * PPT, PPT)])

            pltpu.sync_copy(lbl_hbm.at[im, pl.ds(s * NROW, NROW), :], lbl_v)
            pltpu.sync_copy(iv_hbm.at[im, pl.ds(s * NROW, NROW), :], iv_v)
            pltpu.sync_copy(dv_hbm.at[im, pl.ds(s * NROW, NROW), :], dv_v)

            plsc.subcore_barrier()

            def scat_body(g, _):
                copies = []
                for u in range(4):
                    jj = g * 4 + u
                    idx = lbl_v.at[jj]
                    copies.append(pltpu.async_copy(
                        iv_v.at[jj], bins_i.at[idx], sem, add=True))
                    copies.append(pltpu.async_copy(
                        dv_v.at[jj], bins_d.at[idx], sem, add=True))
                for cp in copies:
                    cp.wait()
                return 0

            lax.fori_loop(0, NROW // 4, scat_body, 0)

            plsc.subcore_barrier()

            racc = jnp.zeros((16,), jnp.float32)
            nacc = jnp.zeros((16,), jnp.float32)
            for q in range(NCH):
                pltpu.sync_copy(
                    bins_i.at[pl.ds(s * PPT + q * RCH, RCH)], binv_i)
                pltpu.sync_copy(
                    bins_d.at[pl.ds(s * PPT + q * RCH, RCH)], binv_d)
                pltpu.sync_copy(
                    root_hbm.at[im, pl.ds(s * PPT + q * RCH, RCH)], rootv)

                def red_body(g, carry):
                    ra, na = carry
                    i16 = binv_i[pl.ds(g * 16, 16)]
                    d16 = binv_d[pl.ds(g * 16, 16)]
                    r16 = rootv[pl.ds(g * 16, 16)]
                    ratio = (i16 + _EPS) / (d16 + _EPS)
                    ra = ra + jnp.where(r16 > 0.0, ratio, fzero)
                    na = na + r16
                    return ra, na

                racc, nacc = lax.fori_loop(0, RCH // 16, red_body,
                                           (racc, nacc))

            stage_v[0, :] = racc
            stage_v[1, :] = nacc
            pltpu.sync_copy(stage_v, out_hbm.at[im, s])
            plsc.subcore_barrier()

    return sc_fn




def kernel(pred, target):
    if pred.shape != target.shape:
        raise ValueError(
            f'Pred shape {pred.shape} must match target shape {target.shape}')
    B, H, W = pred.shape
    N = H * W

    zeros2 = jnp.zeros((N // 16,), jnp.float32)

    HB = B // 2
    sc_fn = _make_sc_segment_reduce(HB, N)
    cc = [_cc_stage(pred[h * HB:(h + 1) * HB], target[h * HB:(h + 1) * HB])
          for h in range(2)]
    halves = [sc_fn(
        lbl.reshape(HB, N // 128, 128),
        iv.reshape(HB, N // 128, 128),
        dv.reshape(HB, N // 128, 128),
        root.reshape(HB, N),
        zeros2) for (lbl, iv, dv, root) in cc]
    out = jnp.concatenate(halves, axis=0)

    tsum = jnp.sum(out[:, :, 0, :], axis=(1, 2))
    num = jnp.sum(out[:, :, 1, :], axis=(1, 2))
    loss = jnp.where(num == 0.0, jnp.float32(1.0),
                     1.0 - tsum / jnp.maximum(num, 1.0))
    return jnp.mean(loss)

# --- scband reference (transcript-rebuilt; emitter-appended) ---
"""Pipeline reference for scband-cluster-tversky-loss-2800318677065 (READ-ONLY COPY).

The authoritative reference and input builder live on the scoring server;
editing this copy changes nothing except your own understanding.
"""

import jax, jax.numpy as jnp
import numpy as np
from jax import lax


def _connected_components(fg):
    # 4-connected components via iterative min-label propagation.
    # fg: bool [H, W]. Returns (labels int32 [H, W], sentinel) where background
    # pixels carry `sentinel` and each component carries its min flat index.
    H, W = fg.shape
    sentinel = H * W
    init = jnp.where(fg, jnp.arange(H * W, dtype=jnp.int32).reshape(H, W),
                     jnp.int32(sentinel))

    def body(state):
        labels, _ = state
        p = jnp.pad(labels, 1, constant_values=jnp.int32(sentinel))
        nb = jnp.minimum(jnp.minimum(p[:-2, 1:-1], p[2:, 1:-1]),
                         jnp.minimum(p[1:-1, :-2], p[1:-1, 2:]))
        new = jnp.where(fg, jnp.minimum(labels, nb), jnp.int32(sentinel))
        return new, jnp.any(new != labels)

    def cond(state):
        return state[1]

    labels, _ = lax.while_loop(cond, body, (init, jnp.array(True)))
    return labels, sentinel


def setup_inputs(seed: int = 0) -> dict:
    key = jax.random.key(seed)
    k1, k2 = jax.random.split(key)
    pred = jax.random.normal(k1, (4, 512, 512), dtype=jnp.float32)
    target = jax.random.normal(k2, (4, 512, 512), dtype=jnp.float32)
    return {"pred": pred, "target": target}


def reference(pred, target):
    if pred.shape != target.shape:
        raise ValueError(f'Pred shape {pred.shape} must match target shape {target.shape}')
    eps = 1e-06
    B = pred.shape[0]
    batch_losses = []
    for b in range(B):
        ps = pred[b]
        ts = target[b]
        # overlay = (pred + target > 0)
        fg = (ps + ts) > 0
        labels, sentinel = _connected_components(fg)
        flat_labels = labels.reshape(-1)
        pf = ps.reshape(-1)
        tf = ts.reshape(-1)
        nseg = sentinel + 1
        # per-region reductions keyed directly on component labels; the
        # sentinel (background) bin is the last one and is sliced off
        counts = jax.ops.segment_sum(jnp.ones_like(pf), flat_labels,
                                     num_segments=nseg)[:sentinel]
        inter = jax.ops.segment_sum(pf * tf, flat_labels,
                                    num_segments=nseg)[:sentinel]
        fp = jax.ops.segment_sum(1.0 - tf, flat_labels,
                                 num_segments=nseg)[:sentinel]
        fn = jax.ops.segment_sum(1.0 - pf, flat_labels,
                                 num_segments=nseg)[:sentinel]
        mask = counts > 0
        num = jnp.sum(mask)
        tversky = (inter + eps) / (inter + fp + fn + eps)
        tsum = jnp.sum(jnp.where(mask, tversky, jnp.float32(0.0)))
        loss = jnp.where(num == 0, jnp.float32(1.0),
                         (1.0 - tsum / jnp.maximum(num, 1).astype(jnp.float32)
                          ).astype(jnp.float32))
        batch_losses.append(loss)
    return jnp.mean(jnp.stack(batch_losses))

if __name__ == "__main__":
    import jax
    _d = setup_inputs()
    print(jax.jit(kernel)(*tuple(_d.values())))

</pallas_src>

<mosaic_0001>
#map = affine_map<(d0, d1) -> (0, 0, 0)>
#map1 = affine_map<(d0, d1) -> (0, 0)>
#map2 = affine_map<(d0, d1) -> (0)>
#map3 = affine_map<(d0, d1) -> (0, 0, 0, 0)>
module attributes {stable_mosaic.version = 14 : i64} {
  func.func @sc_fn(%arg0: i32, %arg1: i32, %arg2: memref<2x2048x128xi32, #tpu.memory_space<hbm>>, %arg3: memref<2x2048x128xf32, #tpu.memory_space<hbm>>, %arg4: memref<2x2048x128xf32, #tpu.memory_space<hbm>>, %arg5: memref<2x262144xf32, #tpu.memory_space<hbm>>, %arg6: memref<16384xf32, #tpu.memory_space<hbm>>, %arg7: memref<2x16x2x16xf32, #tpu.memory_space<hbm>>, %arg8: memref<128x128xi32, #tpu.memory_space<vmem>>, %arg9: memref<128x128xf32, #tpu.memory_space<vmem>>, %arg10: memref<128x128xf32, #tpu.memory_space<vmem>>, %arg11: memref<8192xf32, #tpu.memory_space<vmem>>, %arg12: memref<8192xf32, #tpu.memory_space<vmem>>, %arg13: memref<8192xf32, #tpu.memory_space<vmem>>, %arg14: memref<2x16xf32, #tpu.memory_space<vmem>>, %arg15: memref<262144xf32, #tpu.memory_space<vmem_shared>>, %arg16: memref<262144xf32, #tpu.memory_space<vmem_shared>>, %arg17: memref<!tpu.dma_semaphore, #tpu.memory_space<semaphore_mem>>) attributes {dimension_semantics = [#tpu.dimension_semantics<core_parallel>, #tpu.dimension_semantics<subcore_parallel>], iteration_bounds = array<i64: 2, 16>, scalar_prefetch = 0 : i64, scratch_operands = 10 : i64, tpu.core_type = #tpu.core_type<sc_vector_subcore>, window_params = [{transform_indices = #map}, {transform_indices = #map}, {transform_indices = #map}, {transform_indices = #map1}, {transform_indices = #map2}, {transform_indices = #map3}]} {
    %iota3A = tpu.iota {dimensions = array<i32: 0>} : vector<16xi32>
    %mul3A = arith.constant 1 : i32
    %mul3A_0 = arith.muli %arg0, %mul3A : i32
    %add3A = arith.constant 0 : i32
    %add3A_1 = arith.addi %mul3A_0, %add3A : i32
    %mul3A_2 = arith.constant 16384 : i32
    %mul3A_3 = arith.muli %arg1, %mul3A_2 : i32
    "tpu.region"() ({
      %run_scoped3A = tpu.sem_alloc : memref<!tpu.dma_semaphore, #tpu.memory_space<semaphore_mem>>
      %dma_start3A = tpu.memref_slice %arg15[%mul3A_3] : memref<262144xf32, #tpu.memory_space<vmem_shared>> -> memref<16384xf32, #tpu.memory_space<vmem_shared>>
      tpu.enqueue_dma source(%arg6 : memref<16384xf32, #tpu.memory_space<hbm>>) target(%dma_start3A : memref<16384xf32, #tpu.memory_space<vmem_shared>>) target_semaphore(%run_scoped3A : memref<!tpu.dma_semaphore, #tpu.memory_space<semaphore_mem>>)
      %dma_wait3A = tpu.memref_slice %arg15[%mul3A_3] : memref<262144xf32, #tpu.memory_space<vmem_shared>> -> memref<16384xf32, #tpu.memory_space<vmem_shared>>
      tpu.wait_dma2 semaphore(%run_scoped3A : memref<!tpu.dma_semaphore, #tpu.memory_space<semaphore_mem>>) src(%arg6 : memref<16384xf32, #tpu.memory_space<hbm>>) dst(%dma_wait3A : memref<16384xf32, #tpu.memory_space<vmem_shared>>)
      tpu.yield
    }) : () -> ()
    %mul3A_4 = arith.constant 16384 : i32
    %mul3A_5 = arith.muli %arg1, %mul3A_4 : i32
    "tpu.region"() ({
      %run_scoped3A = tpu.sem_alloc : memref<!tpu.dma_semaphore, #tpu.memory_space<semaphore_mem>>
      %dma_start3A = tpu.memref_slice %arg16[%mul3A_5] : memref<262144xf32, #tpu.memory_space<vmem_shared>> -> memref<16384xf32, #tpu.memory_space<vmem_shared>>
      tpu.enqueue_dma source(%arg6 : memref<16384xf32, #tpu.memory_space<hbm>>) target(%dma_start3A : memref<16384xf32, #tpu.memory_space<vmem_shared>>) target_semaphore(%run_scoped3A : memref<!tpu.dma_semaphore, #tpu.memory_space<semaphore_mem>>)
      %dma_wait3A = tpu.memref_slice %arg16[%mul3A_5] : memref<262144xf32, #tpu.memory_space<vmem_shared>> -> memref<16384xf32, #tpu.memory_space<vmem_shared>>
      tpu.wait_dma2 semaphore(%run_scoped3A : memref<!tpu.dma_semaphore, #tpu.memory_space<semaphore_mem>>) src(%arg6 : memref<16384xf32, #tpu.memory_space<hbm>>) dst(%dma_wait3A : memref<16384xf32, #tpu.memory_space<vmem_shared>>)
      tpu.yield
    }) : () -> ()
    %mul3A_6 = arith.constant 128 : i32
    %mul3A_7 = arith.muli %arg1, %mul3A_6 : i32
    "tpu.region"() ({
      %run_scoped3A = tpu.sem_alloc : memref<!tpu.dma_semaphore, #tpu.memory_space<semaphore_mem>>
      %dma_start3A = arith.constant 0 : i32
      %dma_start3A_72 = tpu.memref_slice %arg2[%add3A_1, %mul3A_7, %dma_start3A] : memref<2x2048x128xi32, #tpu.memory_space<hbm>> -> memref<1x128x128xi32, #tpu.memory_space<hbm>>
      %dma_start3A_73 = tpu.memref_squeeze %dma_start3A_72 : memref<1x128x128xi32, #tpu.memory_space<hbm>> -> memref<128x128xi32, #tpu.memory_space<hbm>>
      %dma_start3A_74 = arith.constant 0 : i32
      %dma_start3A_75 = tpu.memref_slice %arg2[%add3A_1, %mul3A_7, %dma_start3A_74] : memref<2x2048x128xi32, #tpu.memory_space<hbm>> -> memref<1x128x128xi32, #tpu.memory_space<hbm>>
      %dma_start3A_76 = tpu.memref_squeeze %dma_start3A_75 : memref<1x128x128xi32, #tpu.memory_space<hbm>> -> memref<128x128xi32, #tpu.memory_space<hbm>>
      tpu.enqueue_dma source(%dma_start3A_76 : memref<128x128xi32, #tpu.memory_space<hbm>>) target(%arg8 : memref<128x128xi32, #tpu.memory_space<vmem>>) target_semaphore(%run_scoped3A : memref<!tpu.dma_semaphore, #tpu.memory_space<semaphore_mem>>)
      %dma_wait3A = arith.constant 0 : i32
      %dma_wait3A_77 = tpu.memref_slice %arg2[%add3A_1, %mul3A_7, %dma_wait3A] : memref<2x2048x128xi32, #tpu.memory_space<hbm>> -> memref<1x128x128xi32, #tpu.memory_space<hbm>>
      %dma_wait3A_78 = tpu.memref_squeeze %dma_wait3A_77 : memref<1x128x128xi32, #tpu.memory_space<hbm>> -> memref<128x128xi32, #tpu.memory_space<hbm>>
      %dma_wait3A_79 = arith.constant 0 : i32
      %dma_wait3A_80 = tpu.memref_slice %arg2[%add3A_1, %mul3A_7, %dma_wait3A_79] : memref<2x2048x128xi32, #tpu.memory_space<hbm>> -> memref<1x128x128xi32, #tpu.memory_space<hbm>>
      %dma_wait3A_81 = tpu.memref_squeeze %dma_wait3A_80 : memref<1x128x128xi32, #tpu.memory_space<hbm>> -> memref<128x128xi32, #tpu.memory_space<hbm>>
      tpu.wait_dma2 semaphore(%run_scoped3A : memref<!tpu.dma_semaphore, #tpu.memory_space<semaphore_mem>>) src(%dma_wait3A_81 : memref<128x128xi32, #tpu.memory_space<hbm>>) dst(%arg8 : memref<128x128xi32, #tpu.memory_space<vmem>>)
      tpu.yield
    }) : () -> ()
    %mul3A_8 = arith.constant 128 : i32
    %mul3A_9 = arith.muli %arg1, %mul3A_8 : i32
    "tpu.region"() ({
      %run_scoped3A = tpu.sem_alloc : memref<!tpu.dma_semaphore, #tpu.memory_space<semaphore_mem>>
      %dma_start3A = arith.constant 0 : i32
      %dma_start3A_72 = tpu.memref_slice %arg3[%add3A_1, %mul3A_9, %dma_start3A] : memref<2x2048x128xf32, #tpu.memory_space<hbm>> -> memref<1x128x128xf32, #tpu.memory_space<hbm>>
      %dma_start3A_73 = tpu.memref_squeeze %dma_start3A_72 : memref<1x128x128xf32, #tpu.memory_space<hbm>> -> memref<128x128xf32, #tpu.memory_space<hbm>>
      %dma_start3A_74 = arith.constant 0 : i32
      %dma_start3A_75 = tpu.memref_slice %arg3[%add3A_1, %mul3A_9, %dma_start3A_74] : memref<2x2048x128xf32, #tpu.memory_space<hbm>> -> memref<1x128x128xf32, #tpu.memory_space<hbm>>
      %dma_start3A_76 = tpu.memref_squeeze %dma_start3A_75 : memref<1x128x128xf32, #tpu.memory_space<hbm>> -> memref<128x128xf32, #tpu.memory_space<hbm>>
      tpu.enqueue_dma source(%dma_start3A_76 : memref<128x128xf32, #tpu.memory_space<hbm>>) target(%arg9 : memref<128x128xf32, #tpu.memory_space<vmem>>) target_semaphore(%run_scoped3A : memref<!tpu.dma_semaphore, #tpu.memory_space<semaphore_mem>>)
      %dma_wait3A = arith.constant 0 : i32
      %dma_wait3A_77 = tpu.memref_slice %arg3[%add3A_1, %mul3A_9, %dma_wait3A] : memref<2x2048x128xf32, #tpu.memory_space<hbm>> -> memref<1x128x128xf32, #tpu.memory_space<hbm>>
      %dma_wait3A_78 = tpu.memref_squeeze %dma_wait3A_77 : memref<1x128x128xf32, #tpu.memory_space<hbm>> -> memref<128x128xf32, #tpu.memory_space<hbm>>
      %dma_wait3A_79 = arith.constant 0 : i32
      %dma_wait3A_80 = tpu.memref_slice %arg3[%add3A_1, %mul3A_9, %dma_wait3A_79] : memref<2x2048x128xf32, #tpu.memory_space<hbm>> -> memref<1x128x128xf32, #tpu.memory_space<hbm>>
      %dma_wait3A_81 = tpu.memref_squeeze %dma_wait3A_80 : memref<1x128x128xf32, #tpu.memory_space<hbm>> -> memref<128x128xf32, #tpu.memory_space<hbm>>
      tpu.wait_dma2 semaphore(%run_scoped3A : memref<!tpu.dma_semaphore, #tpu.memory_space<semaphore_mem>>) src(%dma_wait3A_81 : memref<128x128xf32, #tpu.memory_space<hbm>>) dst(%arg9 : memref<128x128xf32, #tpu.memory_space<vmem>>)
      tpu.yield
    }) : () -> ()
    %mul3A_10 = arith.constant 128 : i32
    %mul3A_11 = arith.muli %arg1, %mul3A_10 : i32
    "tpu.region"() ({
      %run_scoped3A = tpu.sem_alloc : memref<!tpu.dma_semaphore, #tpu.memory_space<semaphore_mem>>
      %dma_start3A = arith.constant 0 : i32
      %dma_start3A_72 = tpu.memref_slice %arg4[%add3A_1, %mul3A_11, %dma_start3A] : memref<2x2048x128xf32, #tpu.memory_space<hbm>> -> memref<1x128x128xf32, #tpu.memory_space<hbm>>
      %dma_start3A_73 = tpu.memref_squeeze %dma_start3A_72 : memref<1x128x128xf32, #tpu.memory_space<hbm>> -> memref<128x128xf32, #tpu.memory_space<hbm>>
      %dma_start3A_74 = arith.constant 0 : i32
      %dma_start3A_75 = tpu.memref_slice %arg4[%add3A_1, %mul3A_11, %dma_start3A_74] : memref<2x2048x128xf32, #tpu.memory_space<hbm>> -> memref<1x128x128xf32, #tpu.memory_space<hbm>>
      %dma_start3A_76 = tpu.memref_squeeze %dma_start3A_75 : memref<1x128x128xf32, #tpu.memory_space<hbm>> -> memref<128x128xf32, #tpu.memory_space<hbm>>
      tpu.enqueue_dma source(%dma_start3A_76 : memref<128x128xf32, #tpu.memory_space<hbm>>) target(%arg10 : memref<128x128xf32, #tpu.memory_space<vmem>>) target_semaphore(%run_scoped3A : memref<!tpu.dma_semaphore, #tpu.memory_space<semaphore_mem>>)
      %dma_wait3A = arith.constant 0 : i32
      %dma_wait3A_77 = tpu.memref_slice %arg4[%add3A_1, %mul3A_11, %dma_wait3A] : memref<2x2048x128xf32, #tpu.memory_space<hbm>> -> memref<1x128x128xf32, #tpu.memory_space<hbm>>
      %dma_wait3A_78 = tpu.memref_squeeze %dma_wait3A_77 : memref<1x128x128xf32, #tpu.memory_space<hbm>> -> memref<128x128xf32, #tpu.memory_space<hbm>>
      %dma_wait3A_79 = arith.constant 0 : i32
      %dma_wait3A_80 = tpu.memref_slice %arg4[%add3A_1, %mul3A_11, %dma_wait3A_79] : memref<2x2048x128xf32, #tpu.memory_space<hbm>> -> memref<1x128x128xf32, #tpu.memory_space<hbm>>
      %dma_wait3A_81 = tpu.memref_squeeze %dma_wait3A_80 : memref<1x128x128xf32, #tpu.memory_space<hbm>> -> memref<128x128xf32, #tpu.memory_space<hbm>>
      tpu.wait_dma2 semaphore(%run_scoped3A : memref<!tpu.dma_semaphore, #tpu.memory_space<semaphore_mem>>) src(%dma_wait3A_81 : memref<128x128xf32, #tpu.memory_space<hbm>>) dst(%arg10 : memref<128x128xf32, #tpu.memory_space<vmem>>)
      tpu.yield
    }) : () -> ()
    %barrier3A = arith.constant 0 : index
    tpu.barrier barrier_id(%barrier3A)
    %scan3A = arith.constant 0 : i32
    %scan3A_12 = arith.constant 0 : i32
    %scan3A_13 = arith.constant 32 : i32
    %scan3A_14 = arith.addi %scan3A_12, %scan3A_13 : i32
    %scan3A_15 = arith.constant 1 : i32
    %scan3A_16 = scf.for %scan3A_72 = %scan3A_12 to %scan3A_14 step %scan3A_15 iter_args(%scan3A_73 = %scan3A) -> (i32)  : i32 {
      %mul3A_74 = arith.constant 4 : i32
      %mul3A_75 = arith.muli %scan3A_72, %mul3A_74 : i32
      %add3A_76 = arith.constant 0 : i32
      %add3A_77 = arith.addi %mul3A_75, %add3A_76 : i32
      %dma_start3A = arith.constant 0 : i32
      %dma_start3A_78 = tpu.memref_slice %arg9[%add3A_77, %dma_start3A] : memref<128x128xf32, #tpu.memory_space<vmem>> -> memref<1x128xf32, #tpu.memory_space<vmem>>
      %dma_start3A_79 = tpu.memref_squeeze %dma_start3A_78 : memref<1x128xf32, #tpu.memory_space<vmem>> -> memref<128xf32, #tpu.memory_space<vmem>>
      %dma_start3A_80 = arith.constant 0 : i32
      %dma_start3A_81 = tpu.memref_slice %arg8[%add3A_77, %dma_start3A_80] : memref<128x128xi32, #tpu.memory_space<vmem>> -> memref<1x128xi32, #tpu.memory_space<vmem>>
      %dma_start3A_82 = tpu.memref_squeeze %dma_start3A_81 : memref<1x128xi32, #tpu.memory_space<vmem>> -> memref<128xi32, #tpu.memory_space<vmem>>
      %dma_start3A_83 = arith.constant 0 : i32
      %dma_start3A_84 = tpu.memref_slice %arg15[%dma_start3A_83] : memref<262144xf32, #tpu.memory_space<vmem_shared>> -> memref<262144xf32, #tpu.memory_space<vmem_shared>>
      tpu.enqueue_indirect_dma source(%dma_start3A_79 : memref<128xf32, #tpu.memory_space<vmem>>) target(%dma_start3A_84 : memref<262144xf32, #tpu.memory_space<vmem_shared>>) offsets(%dma_start3A_82 : memref<128xi32, #tpu.memory_space<vmem>>) semaphore(%arg17 : memref<!tpu.dma_semaphore, #tpu.memory_space<semaphore_mem>>) {add = true}
      %dma_start3A_85 = arith.constant 0 : i32
      %dma_start3A_86 = tpu.memref_slice %arg10[%add3A_77, %dma_start3A_85] : memref<128x128xf32, #tpu.memory_space<vmem>> -> memref<1x128xf32, #tpu.memory_space<vmem>>
      %dma_start3A_87 = tpu.memref_squeeze %dma_start3A_86 : memref<1x128xf32, #tpu.memory_space<vmem>> -> memref<128xf32, #tpu.memory_space<vmem>>
      %dma_start3A_88 = arith.constant 0 : i32
      %dma_start3A_89 = tpu.memref_slice %arg8[%add3A_77, %dma_start3A_88] : memref<128x128xi32, #tpu.memory_space<vmem>> -> memref<1x128xi32, #tpu.memory_space<vmem>>
      %dma_start3A_90 = tpu.memref_squeeze %dma_start3A_89 : memref<1x128xi32, #tpu.memory_space<vmem>> -> memref<128xi32, #tpu.memory_space<vmem>>
      %dma_start3A_91 = arith.constant 0 : i32
      %dma_start3A_92 = tpu.memref_slice %arg16[%dma_start3A_91] : memref<262144xf32, #tpu.memory_space<vmem_shared>> -> memref<262144xf32, #tpu.memory_space<vmem_shared>>
      tpu.enqueue_indirect_dma source(%dma_start3A_87 : memref<128xf32, #tpu.memory_space<vmem>>) target(%dma_start3A_92 : memref<262144xf32, #tpu.memory_space<vmem_shared>>) offsets(%dma_start3A_90 : memref<128xi32, #tpu.memory_space<vmem>>) semaphore(%arg17 : memref<!tpu.dma_semaphore, #tpu.memory_space<semaphore_mem>>) {add = true}
      %mul3A_93 = arith.constant 4 : i32
      %mul3A_94 = arith.muli %scan3A_72, %mul3A_93 : i32
      %add3A_95 = arith.constant 1 : i32
      %add3A_96 = arith.addi %mul3A_94, %add3A_95 : i32
      %dma_start3A_97 = arith.constant 0 : i32
      %dma_start3A_98 = tpu.memref_slice %arg9[%add3A_96, %dma_start3A_97] : memref<128x128xf32, #tpu.memory_space<vmem>> -> memref<1x128xf32, #tpu.memory_space<vmem>>
      %dma_start3A_99 = tpu.memref_squeeze %dma_start3A_98 : memref<1x128xf32, #tpu.memory_space<vmem>> -> memref<128xf32, #tpu.memory_space<vmem>>
      %dma_start3A_100 = arith.constant 0 : i32
      %dma_start3A_101 = tpu.memref_slice %arg8[%add3A_96, %dma_start3A_100] : memref<128x128xi32, #tpu.memory_space<vmem>> -> memref<1x128xi32, #tpu.memory_space<vmem>>
      %dma_start3A_102 = tpu.memref_squeeze %dma_start3A_101 : memref<1x128xi32, #tpu.memory_space<vmem>> -> memref<128xi32, #tpu.memory_space<vmem>>
      %dma_start3A_103 = arith.constant 0 : i32
      %dma_start3A_104 = tpu.memref_slice %arg15[%dma_start3A_103] : memref<262144xf32, #tpu.memory_space<vmem_shared>> -> memref<262144xf32, #tpu.memory_space<vmem_shared>>
      tpu.enqueue_indirect_dma source(%dma_start3A_99 : memref<128xf32, #tpu.memory_space<vmem>>) target(%dma_start3A_104 : memref<262144xf32, #tpu.memory_space<vmem_shared>>) offsets(%dma_start3A_102 : memref<128xi32, #tpu.memory_space<vmem>>) semaphore(%arg17 : memref<!tpu.dma_semaphore, #tpu.memory_space<semaphore_mem>>) {add = true}
      %dma_start3A_105 = arith.constant 0 : i32
      %dma_start3A_106 = tpu.memref_slice %arg10[%add3A_96, %dma_start3A_105] : memref<128x128xf32, #tpu.memory_space<vmem>> -> memref<1x128xf32, #tpu.memory_space<vmem>>
      %dma_start3A_107 = tpu.memref_squeeze %dma_start3A_106 : memref<1x128xf32, #tpu.memory_space<vmem>> -> memref<128xf32, #tpu.memory_space<vmem>>
      %dma_start3A_108 = arith.constant 0 : i32
      %dma_start3A_109 = tpu.memref_slice %arg8[%add3A_96, %dma_start3A_108] : memref<128x128xi32, #tpu.memory_space<vmem>> -> memref<1x128xi32, #tpu.memory_space<vmem>>
      %dma_start3A_110 = tpu.memref_squeeze %dma_start3A_109 : memref<1x128xi32, #tpu.memory_space<vmem>> -> memref<128xi32, #tpu.memory_space<vmem>>
      %dma_start3A_111 = arith.constant 0 : i32
      %dma_start3A_112 = tpu.memref_slice %arg16[%dma_start3A_111] : memref<262144xf32, #tpu.memory_space<vmem_shared>> -> memref<262144xf32, #tpu.memory_space<vmem_shared>>
      tpu.enqueue_indirect_dma source(%dma_start3A_107 : memref<128xf32, #tpu.memory_space<vmem>>) target(%dma_start3A_112 : memref<262144xf32, #tpu.memory_space<vmem_shared>>) offsets(%dma_start3A_110 : memref<128xi32, #tpu.memory_space<vmem>>) semaphore(%arg17 : memref<!tpu.dma_semaphore, #tpu.memory_space<semaphore_mem>>) {add = true}
      %mul3A_113 = arith.constant 4 : i32
      %mul3A_114 = arith.muli %scan3A_72, %mul3A_113 : i32
      %add3A_115 = arith.constant 2 : i32
      %add3A_116 = arith.addi %mul3A_114, %add3A_115 : i32
      %dma_start3A_117 = arith.constant 0 : i32
      %dma_start3A_118 = tpu.memref_slice %arg9[%add3A_116, %dma_start3A_117] : memref<128x128xf32, #tpu.memory_space<vmem>> -> memref<1x128xf32, #tpu.memory_space<vmem>>
      %dma_start3A_119 = tpu.memref_squeeze %dma_start3A_118 : memref<1x128xf32, #tpu.memory_space<vmem>> -> memref<128xf32, #tpu.memory_space<vmem>>
      %dma_start3A_120 = arith.constant 0 : i32
      %dma_start3A_121 = tpu.memref_slice %arg8[%add3A_116, %dma_start3A_120] : memref<128x128xi32, #tpu.memory_space<vmem>> -> memref<1x128xi32, #tpu.memory_space<vmem>>
      %dma_start3A_122 = tpu.memref_squeeze %dma_start3A_121 : memref<1x128xi32, #tpu.memory_space<vmem>> -> memref<128xi32, #tpu.memory_space<vmem>>
      %dma_start3A_123 = arith.constant 0 : i32
      %dma_start3A_124 = tpu.memref_slice %arg15[%dma_start3A_123] : memref<262144xf32, #tpu.memory_space<vmem_shared>> -> memref<262144xf32, #tpu.memory_space<vmem_shared>>
      tpu.enqueue_indirect_dma source(%dma_start3A_119 : memref<128xf32, #tpu.memory_space<vmem>>) target(%dma_start3A_124 : memref<262144xf32, #tpu.memory_space<vmem_shared>>) offsets(%dma_start3A_122 : memref<128xi32, #tpu.memory_space<vmem>>) semaphore(%arg17 : memref<!tpu.dma_semaphore, #tpu.memory_space<semaphore_mem>>) {add = true}
      %dma_start3A_125 = arith.constant 0 : i32
      %dma_start3A_126 = tpu.memref_slice %arg10[%add3A_116, %dma_start3A_125] : memref<128x128xf32, #tpu.memory_space<vmem>> -> memref<1x128xf32, #tpu.memory_space<vmem>>
      %dma_start3A_127 = tpu.memref_squeeze %dma_start3A_126 : memref<1x128xf32, #tpu.memory_space<vmem>> -> memref<128xf32, #tpu.memory_space<vmem>>
      %dma_start3A_128 = arith.constant 0 : i32
      %dma_start3A_129 = tpu.memref_slice %arg8[%add3A_116, %dma_start3A_128] : memref<128x128xi32, #tpu.memory_space<vmem>> -> memref<1x128xi32, #tpu.memory_space<vmem>>
      %dma_start3A_130 = tpu.memref_squeeze %dma_start3A_129 : memref<1x128xi32, #tpu.memory_space<vmem>> -> memref<128xi32, #tpu.memory_space<vmem>>
      %dma_start3A_131 = arith.constant 0 : i32
      %dma_start3A_132 = tpu.memref_slice %arg16[%dma_start3A_131] : memref<262144xf32, #tpu.memory_space<vmem_shared>> -> memref<262144xf32, #tpu.memory_space<vmem_shared>>
      tpu.enqueue_indirect_dma source(%dma_start3A_127 : memref<128xf32, #tpu.memory_space<vmem>>) target(%dma_start3A_132 : memref<262144xf32, #tpu.memory_space<vmem_shared>>) offsets(%dma_start3A_130 : memref<128xi32, #tpu.memory_space<vmem>>) semaphore(%arg17 : memref<!tpu.dma_semaphore, #tpu.memory_space<semaphore_mem>>) {add = true}
      %mul3A_133 = arith.constant 4 : i32
      %mul3A_134 = arith.muli %scan3A_72, %mul3A_133 : i32
      %add3A_135 = arith.constant 3 : i32
      %add3A_136 = arith.addi %mul3A_134, %add3A_135 : i32
      %dma_start3A_137 = arith.constant 0 : i32
      %dma_start3A_138 = tpu.memref_slice %arg9[%add3A_136, %dma_start3A_137] : memref<128x128xf32, #tpu.memory_space<vmem>> -> memref<1x128xf32, #tpu.memory_space<vmem>>
      %dma_start3A_139 = tpu.memref_squeeze %dma_start3A_138 : memref<1x128xf32, #tpu.memory_space<vmem>> -> memref<128xf32, #tpu.memory_space<vmem>>
      %dma_start3A_140 = arith.constant 0 : i32
      %dma_start3A_141 = tpu.memref_slice %arg8[%add3A_136, %dma_start3A_140] : memref<128x128xi32, #tpu.memory_space<vmem>> -> memref<1x128xi32, #tpu.memory_space<vmem>>
      %dma_start3A_142 = tpu.memref_squeeze %dma_start3A_141 : memref<1x128xi32, #tpu.memory_space<vmem>> -> memref<128xi32, #tpu.memory_space<vmem>>
      %dma_start3A_143 = arith.constant 0 : i32
      %dma_start3A_144 = tpu.memref_slice %arg15[%dma_start3A_143] : memref<262144xf32, #tpu.memory_space<vmem_shared>> -> memref<262144xf32, #tpu.memory_space<vmem_shared>>
      tpu.enqueue_indirect_dma source(%dma_start3A_139 : memref<128xf32, #tpu.memory_space<vmem>>) target(%dma_start3A_144 : memref<262144xf32, #tpu.memory_space<vmem_shared>>) offsets(%dma_start3A_142 : memref<128xi32, #tpu.memory_space<vmem>>) semaphore(%arg17 : memref<!tpu.dma_semaphore, #tpu.memory_space<semaphore_mem>>) {add = true}
      %dma_start3A_145 = arith.constant 0 : i32
      %dma_start3A_146 = tpu.memref_slice %arg10[%add3A_136, %dma_start3A_145] : memref<128x128xf32, #tpu.memory_space<vmem>> -> memref<1x128xf32, #tpu.memory_space<vmem>>
      %dma_start3A_147 = tpu.memref_squeeze %dma_start3A_146 : memref<1x128xf32, #tpu.memory_space<vmem>> -> memref<128xf32, #tpu.memory_space<vmem>>
      %dma_start3A_148 = arith.constant 0 : i32
      %dma_start3A_149 = tpu.memref_slice %arg8[%add3A_136, %dma_start3A_148] : memref<128x128xi32, #tpu.memory_space<vmem>> -> memref<1x128xi32, #tpu.memory_space<vmem>>
      %dma_start3A_150 = tpu.memref_squeeze %dma_start3A_149 : memref<1x128xi32, #tpu.memory_space<vmem>> -> memref<128xi32, #tpu.memory_space<vmem>>
      %dma_start3A_151 = arith.constant 0 : i32
      %dma_start3A_152 = tpu.memref_slice %arg16[%dma_start3A_151] : memref<262144xf32, #tpu.memory_space<vmem_shared>> -> memref<262144xf32, #tpu.memory_space<vmem_shared>>
      tpu.enqueue_indirect_dma source(%dma_start3A_147 : memref<128xf32, #tpu.memory_space<vmem>>) target(%dma_start3A_152 : memref<262144xf32, #tpu.memory_space<vmem_shared>>) offsets(%dma_start3A_150 : memref<128xi32, #tpu.memory_space<vmem>>) semaphore(%arg17 : memref<!tpu.dma_semaphore, #tpu.memory_space<semaphore_mem>>) {add = true}
      %dma_wait3A = arith.constant 0 : i32
      %dma_wait3A_153 = tpu.memref_slice %arg9[%add3A_77, %dma_wait3A] : memref<128x128xf32, #tpu.memory_space<vmem>> -> memref<1x128xf32, #tpu.memory_space<vmem>>
      %dma_wait3A_154 = tpu.memref_squeeze %dma_wait3A_153 : memref<1x128xf32, #tpu.memory_space<vmem>> -> memref<128xf32, #tpu.memory_space<vmem>>
      %dma_wait3A_155 = arith.constant 0 : i32
      %dma_wait3A_156 = tpu.memref_slice %arg8[%add3A_77, %dma_wait3A_155] : memref<128x128xi32, #tpu.memory_space<vmem>> -> memref<1x128xi32, #tpu.memory_space<vmem>>
      %dma_wait3A_157 = tpu.memref_squeeze %dma_wait3A_156 : memref<1x128xi32, #tpu.memory_space<vmem>> -> memref<128xi32, #tpu.memory_space<vmem>>
      %dma_wait3A_158 = arith.constant 0 : i32
      %dma_wait3A_159 = tpu.memref_slice %arg15[%dma_wait3A_158] : memref<262144xf32, #tpu.memory_space<vmem_shared>> -> memref<262144xf32, #tpu.memory_space<vmem_shared>>
      tpu.wait_indirect_dma semaphore(%arg17 : memref<!tpu.dma_semaphore, #tpu.memory_space<semaphore_mem>>) src(%dma_wait3A_154 : memref<128xf32, #tpu.memory_space<vmem>>) dst(%dma_wait3A_159 : memref<262144xf32, #tpu.memory_space<vmem_shared>>)
      %dma_wait3A_160 = arith.constant 0 : i32
      %dma_wait3A_161 = tpu.memref_slice %arg10[%add3A_77, %dma_wait3A_160] : memref<128x128xf32, #tpu.memory_space<vmem>> -> memref<1x128xf32, #tpu.memory_space<vmem>>
      %dma_wait3A_162 = tpu.memref_squeeze %dma_wait3A_161 : memref<1x128xf32, #tpu.memory_space<vmem>> -> memref<128xf32, #tpu.memory_space<vmem>>
      %dma_wait3A_163 = arith.constant 0 : i32
      %dma_wait3A_164 = tpu.memref_slice %arg8[%add3A_77, %dma_wait3A_163] : memref<128x128xi32, #tpu.memory_space<vmem>> -> memref<1x128xi32, #tpu.memory_space<vmem>>
      %dma_wait3A_165 = tpu.memref_squeeze %dma_wait3A_164 : memref<1x128xi32, #tpu.memory_space<vmem>> -> memref<128xi32, #tpu.memory_space<vmem>>
      %dma_wait3A_166 = arith.constant 0 : i32
      %dma_wait3A_167 = tpu.memref_slice %arg16[%dma_wait3A_166] : memref<262144xf32, #tpu.memory_space<vmem_shared>> -> memref<262144xf32, #tpu.memory_space<vmem_shared>>
      tpu.wait_indirect_dma semaphore(%arg17 : memref<!tpu.dma_semaphore, #tpu.memory_space<semaphore_mem>>) src(%dma_wait3A_162 : memref<128xf32, #tpu.memory_space<vmem>>) dst(%dma_wait3A_167 : memref<262144xf32, #tpu.memory_space<vmem_shared>>)
      %dma_wait3A_168 = arith.constant 0 : i32
      %dma_wait3A_169 = tpu.memref_slice %arg9[%add3A_96, %dma_wait3A_168] : memref<128x128xf32, #tpu.memory_space<vmem>> -> memref<1x128xf32, #tpu.memory_space<vmem>>
      %dma_wait3A_170 = tpu.memref_squeeze %dma_wait3A_169 : memref<1x128xf32, #tpu.memory_space<vmem>> -> memref<128xf32, #tpu.memory_space<vmem>>
      %dma_wait3A_171 = arith.constant 0 : i32
      %dma_wait3A_172 = tpu.memref_slice %arg8[%add3A_96, %dma_wait3A_171] : memref<128x128xi32, #tpu.memory_space<vmem>> -> memref<1x128xi32, #tpu.memory_space<vmem>>
      %dma_wait3A_173 = tpu.memref_squeeze %dma_wait3A_172 : memref<1x128xi32, #tpu.memory_space<vmem>> -> memref<128xi32, #tpu.memory_space<vmem>>
      %dma_wait3A_174 = arith.constant 0 : i32
      %dma_wait3A_175 = tpu.memref_slice %arg15[%dma_wait3A_174] : memref<262144xf32, #tpu.memory_space<vmem_shared>> -> memref<262144xf32, #tpu.memory_space<vmem_shared>>
      tpu.wait_indirect_dma semaphore(%arg17 : memref<!tpu.dma_semaphore, #tpu.memory_space<semaphore_mem>>) src(%dma_wait3A_170 : memref<128xf32, #tpu.memory_space<vmem>>) dst(%dma_wait3A_175 : memref<262144xf32, #tpu.memory_space<vmem_shared>>)
      %dma_wait3A_176 = arith.constant 0 : i32
      %dma_wait3A_177 = tpu.memref_slice %arg10[%add3A_96, %dma_wait3A_176] : memref<128x128xf32, #tpu.memory_space<vmem>> -> memref<1x128xf32, #tpu.memory_space<vmem>>
      %dma_wait3A_178 = tpu.memref_squeeze %dma_wait3A_177 : memref<1x128xf32, #tpu.memory_space<vmem>> -> memref<128xf32, #tpu.memory_space<vmem>>
      %dma_wait3A_179 = arith.constant 0 : i32
      %dma_wait3A_180 = tpu.memref_slice %arg8[%add3A_96, %dma_wait3A_179] : memref<128x128xi32, #tpu.memory_space<vmem>> -> memref<1x128xi32, #tpu.memory_space<vmem>>
      %dma_wait3A_181 = tpu.memref_squeeze %dma_wait3A_180 : memref<1x128xi32, #tpu.memory_space<vmem>> -> memref<128xi32, #tpu.memory_space<vmem>>
      %dma_wait3A_182 = arith.constant 0 : i32
      %dma_wait3A_183 = tpu.memref_slice %arg16[%dma_wait3A_182] : memref<262144xf32, #tpu.memory_space<vmem_shared>> -> memref<262144xf32, #tpu.memory_space<vmem_shared>>
      tpu.wait_indirect_dma semaphore(%arg17 : memref<!tpu.dma_semaphore, #tpu.memory_space<semaphore_mem>>) src(%dma_wait3A_178 : memref<128xf32, #tpu.memory_space<vmem>>) dst(%dma_wait3A_183 : memref<262144xf32, #tpu.memory_space<vmem_shared>>)
      %dma_wait3A_184 = arith.constant 0 : i32
      %dma_wait3A_185 = tpu.memref_slice %arg9[%add3A_116, %dma_wait3A_184] : memref<128x128xf32, #tpu.memory_space<vmem>> -> memref<1x128xf32, #tpu.memory_space<vmem>>
      %dma_wait3A_186 = tpu.memref_squeeze %dma_wait3A_185 : memref<1x128xf32, #tpu.memory_space<vmem>> -> memref<128xf32, #tpu.memory_space<vmem>>
      %dma_wait3A_187 = arith.constant 0 : i32
      %dma_wait3A_188 = tpu.memref_slice %arg8[%add3A_116, %dma_wait3A_187] : memref<128x128xi32, #tpu.memory_space<vmem>> -> memref<1x128xi32, #tpu.memory_space<vmem>>
      %dma_wait3A_189 = tpu.memref_squeeze %dma_wait3A_188 : memref<1x128xi32, #tpu.memory_space<vmem>> -> memref<128xi32, #tpu.memory_space<vmem>>
      %dma_wait3A_190 = arith.constant 0 : i32
      %dma_wait3A_191 = tpu.memref_slice %arg15[%dma_wait3A_190] : memref<262144xf32, #tpu.memory_space<vmem_shared>> -> memref<262144xf32, #tpu.memory_space<vmem_shared>>
      tpu.wait_indirect_dma semaphore(%arg17 : memref<!tpu.dma_semaphore, #tpu.memory_space<semaphore_mem>>) src(%dma_wait3A_186 : memref<128xf32, #tpu.memory_space<vmem>>) dst(%dma_wait3A_191 : memref<262144xf32, #tpu.memory_space<vmem_shared>>)
      %dma_wait3A_192 = arith.constant 0 : i32
      %dma_wait3A_193 = tpu.memref_slice %arg10[%add3A_116, %dma_wait3A_192] : memref<128x128xf32, #tpu.memory_space<vmem>> -> memref<1x128xf32, #tpu.memory_space<vmem>>
      %dma_wait3A_194 = tpu.memref_squeeze %dma_wait3A_193 : memref<1x128xf32, #tpu.memory_space<vmem>> -> memref<128xf32, #tpu.memory_space<vmem>>
      %dma_wait3A_195 = arith.constant 0 : i32
      %dma_wait3A_196 = tpu.memref_slice %arg8[%add3A_116, %dma_wait3A_195] : memref<128x128xi32, #tpu.memory_space<vmem>> -> memref<1x128xi32, #tpu.memory_space<vmem>>
      %dma_wait3A_197 = tpu.memref_squeeze %dma_wait3A_196 : memref<1x128xi32, #tpu.memory_space<vmem>> -> memref<128xi32, #tpu.memory_space<vmem>>
      %dma_wait3A_198 = arith.constant 0 : i32
      %dma_wait3A_199 = tpu.memref_slice %arg16[%dma_wait3A_198] : memref<262144xf32, #tpu.memory_space<vmem_shared>> -> memref<262144xf32, #tpu.memory_space<vmem_shared>>
      tpu.wait_indirect_dma semaphore(%arg17 : memref<!tpu.dma_semaphore, #tpu.memory_space<semaphore_mem>>) src(%dma_wait3A_194 : memref<128xf32, #tpu.memory_space<vmem>>) dst(%dma_wait3A_199 : memref<262144xf32, #tpu.memory_space<vmem_shared>>)
      %dma_wait3A_200 = arith.constant 0 : i32
      %dma_wait3A_201 = tpu.memref_slice %arg9[%add3A_136, %dma_wait3A_200] : memref<128x128xf32, #tpu.memory_space<vmem>> -> memref<1x128xf32, #tpu.memory_space<vmem>>
      %dma_wait3A_202 = tpu.memref_squeeze %dma_wait3A_201 : memref<1x128xf32, #tpu.memory_space<vmem>> -> memref<128xf32, #tpu.memory_space<vmem>>
      %dma_wait3A_203 = arith.constant 0 : i32
      %dma_wait3A_204 = tpu.memref_slice %arg8[%add3A_136, %dma_wait3A_203] : memref<128x128xi32, #tpu.memory_space<vmem>> -> memref<1x128xi32, #tpu.memory_space<vmem>>
      %dma_wait3A_205 = tpu.memref_squeeze %dma_wait3A_204 : memref<1x128xi32, #tpu.memory_space<vmem>> -> memref<128xi32, #tpu.memory_space<vmem>>
      %dma_wait3A_206 = arith.constant 0 : i32
      %dma_wait3A_207 = tpu.memref_slice %arg15[%dma_wait3A_206] : memref<262144xf32, #tpu.memory_space<vmem_shared>> -> memref<262144xf32, #tpu.memory_space<vmem_shared>>
      tpu.wait_indirect_dma semaphore(%arg17 : memref<!tpu.dma_semaphore, #tpu.memory_space<semaphore_mem>>) src(%dma_wait3A_202 : memref<128xf32, #tpu.memory_space<vmem>>) dst(%dma_wait3A_207 : memref<262144xf32, #tpu.memory_space<vmem_shared>>)
      %dma_wait3A_208 = arith.constant 0 : i32
      %dma_wait3A_209 = tpu.memref_slice %arg10[%add3A_136, %dma_wait3A_208] : memref<128x128xf32, #tpu.memory_space<vmem>> -> memref<1x128xf32, #tpu.memory_space<vmem>>
      %dma_wait3A_210 = tpu.memref_squeeze %dma_wait3A_209 : memref<1x128xf32, #tpu.memory_space<vmem>> -> memref<128xf32, #tpu.memory_space<vmem>>
      %dma_wait3A_211 = arith.constant 0 : i32
      %dma_wait3A_212 = tpu.memref_slice %arg8[%add3A_136, %dma_wait3A_211] : memref<128x128xi32, #tpu.memory_space<vmem>> -> memref<1x128xi32, #tpu.memory_space<vmem>>
      %dma_wait3A_213 = tpu.memref_squeeze %dma_wait3A_212 : memref<1x128xi32, #tpu.memory_space<vmem>> -> memref<128xi32, #tpu.memory_space<vmem>>
      %dma_wait3A_214 = arith.constant 0 : i32
      %dma_wait3A_215 = tpu.memref_slice %arg16[%dma_wait3A_214] : memref<262144xf32, #tpu.memory_space<vmem_shared>> -> memref<262144xf32, #tpu.memory_space<vmem_shared>>
      tpu.wait_indirect_dma semaphore(%arg17 : memref<!tpu.dma_semaphore, #tpu.memory_space<semaphore_mem>>) src(%dma_wait3A_210 : memref<128xf32, #tpu.memory_space<vmem>>) dst(%dma_wait3A_215 : memref<262144xf32, #tpu.memory_space<vmem_shared>>)
      %scan3A_216 = arith.constant 0 : i32
      scf.yield %scan3A_216 : i32
    }
    %scan3A_17 = arith.constant 32 : i32
    %barrier3A_18 = arith.constant 0 : index
    tpu.barrier barrier_id(%barrier3A_18)
    %broadcast_in_dim3A = arith.constant 0.000000e+00 : f32
    %broadcast_in_dim3A_19 = vector.broadcast %broadcast_in_dim3A : f32 to vector<16xf32>
    %broadcast_in_dim3A_20 = arith.constant 0.000000e+00 : f32
    %broadcast_in_dim3A_21 = vector.broadcast %broadcast_in_dim3A_20 : f32 to vector<16xf32>
    %mul3A_22 = arith.constant 16384 : i32
    %mul3A_23 = arith.muli %arg1, %mul3A_22 : i32
    %add3A_24 = arith.constant 0 : i32
    %add3A_25 = arith.addi %mul3A_23, %add3A_24 : i32
    "tpu.region"() ({
      %run_scoped3A = tpu.sem_alloc : memref<!tpu.dma_semaphore, #tpu.memory_space<semaphore_mem>>
      %dma_start3A = tpu.memref_slice %arg15[%add3A_25] : memref<262144xf32, #tpu.memory_space<vmem_shared>> -> memref<8192xf32, #tpu.memory_space<vmem_shared>>
      %dma_start3A_72 = tpu.memref_slice %arg15[%add3A_25] : memref<262144xf32, #tpu.memory_space<vmem_shared>> -> memref<8192xf32, #tpu.memory_space<vmem_shared>>
      tpu.enqueue_dma source(%dma_start3A_72 : memref<8192xf32, #tpu.memory_space<vmem_shared>>) target(%arg11 : memref<8192xf32, #tpu.memory_space<vmem>>) target_semaphore(%run_scoped3A : memref<!tpu.dma_semaphore, #tpu.memory_space<semaphore_mem>>)
      %dma_wait3A = tpu.memref_slice %arg15[%add3A_25] : memref<262144xf32, #tpu.memory_space<vmem_shared>> -> memref<8192xf32, #tpu.memory_space<vmem_shared>>
      %dma_wait3A_73 = tpu.memref_slice %arg15[%add3A_25] : memref<262144xf32, #tpu.memory_space<vmem_shared>> -> memref<8192xf32, #tpu.memory_space<vmem_shared>>
      tpu.wait_dma2 semaphore(%run_scoped3A : memref<!tpu.dma_semaphore, #tpu.memory_space<semaphore_mem>>) src(%dma_wait3A_73 : memref<8192xf32, #tpu.memory_space<vmem_shared>>) dst(%arg11 : memref<8192xf32, #tpu.memory_space<vmem>>)
      tpu.yield
    }) : () -> ()
    %mul3A_26 = arith.constant 16384 : i32
    %mul3A_27 = arith.muli %arg1, %mul3A_26 : i32
    %add3A_28 = arith.constant 0 : i32
    %add3A_29 = arith.addi %mul3A_27, %add3A_28 : i32
    "tpu.region"() ({
      %run_scoped3A = tpu.sem_alloc : memref<!tpu.dma_semaphore, #tpu.memory_space<semaphore_mem>>
      %dma_start3A = tpu.memref_slice %arg16[%add3A_29] : memref<262144xf32, #tpu.memory_space<vmem_shared>> -> memref<8192xf32, #tpu.memory_space<vmem_shared>>
      %dma_start3A_72 = tpu.memref_slice %arg16[%add3A_29] : memref<262144xf32, #tpu.memory_space<vmem_shared>> -> memref<8192xf32, #tpu.memory_space<vmem_shared>>
      tpu.enqueue_dma source(%dma_start3A_72 : memref<8192xf32, #tpu.memory_space<vmem_shared>>) target(%arg12 : memref<8192xf32, #tpu.memory_space<vmem>>) target_semaphore(%run_scoped3A : memref<!tpu.dma_semaphore, #tpu.memory_space<semaphore_mem>>)
      %dma_wait3A = tpu.memref_slice %arg16[%add3A_29] : memref<262144xf32, #tpu.memory_space<vmem_shared>> -> memref<8192xf32, #tpu.memory_space<vmem_shared>>
      %dma_wait3A_73 = tpu.memref_slice %arg16[%add3A_29] : memref<262144xf32, #tpu.memory_space<vmem_shared>> -> memref<8192xf32, #tpu.memory_space<vmem_shared>>
      tpu.wait_dma2 semaphore(%run_scoped3A : memref<!tpu.dma_semaphore, #tpu.memory_space<semaphore_mem>>) src(%dma_wait3A_73 : memref<8192xf32, #tpu.memory_space<vmem_shared>>) dst(%arg12 : memref<8192xf32, #tpu.memory_space<vmem>>)
      tpu.yield
    }) : () -> ()
    %mul3A_30 = arith.constant 16384 : i32
    %mul3A_31 = arith.muli %arg1, %mul3A_30 : i32
    %add3A_32 = arith.constant 0 : i32
    %add3A_33 = arith.addi %mul3A_31, %add3A_32 : i32
    "tpu.region"() ({
      %run_scoped3A = tpu.sem_alloc : memref<!tpu.dma_semaphore, #tpu.memory_space<semaphore_mem>>
      %dma_start3A = tpu.memref_slice %arg5[%add3A_1, %add3A_33] : memref<2x262144xf32, #tpu.memory_space<hbm>> -> memref<1x8192xf32, #tpu.memory_space<hbm>>
      %dma_start3A_72 = tpu.memref_squeeze %dma_start3A : memref<1x8192xf32, #tpu.memory_space<hbm>> -> memref<8192xf32, #tpu.memory_space<hbm>>
      %dma_start3A_73 = tpu.memref_slice %arg5[%add3A_1, %add3A_33] : memref<2x262144xf32, #tpu.memory_space<hbm>> -> memref<1x8192xf32, #tpu.memory_space<hbm>>
      %dma_start3A_74 = tpu.memref_squeeze %dma_start3A_73 : memref<1x8192xf32, #tpu.memory_space<hbm>> -> memref<8192xf32, #tpu.memory_space<hbm>>
      tpu.enqueue_dma source(%dma_start3A_74 : memref<8192xf32, #tpu.memory_space<hbm>>) target(%arg13 : memref<8192xf32, #tpu.memory_space<vmem>>) target_semaphore(%run_scoped3A : memref<!tpu.dma_semaphore, #tpu.memory_space<semaphore_mem>>)
      %dma_wait3A = tpu.memref_slice %arg5[%add3A_1, %add3A_33] : memref<2x262144xf32, #tpu.memory_space<hbm>> -> memref<1x8192xf32, #tpu.memory_space<hbm>>
      %dma_wait3A_75 = tpu.memref_squeeze %dma_wait3A : memref<1x8192xf32, #tpu.memory_space<hbm>> -> memref<8192xf32, #tpu.memory_space<hbm>>
      %dma_wait3A_76 = tpu.memref_slice %arg5[%add3A_1, %add3A_33] : memref<2x262144xf32, #tpu.memory_space<hbm>> -> memref<1x8192xf32, #tpu.memory_space<hbm>>
      %dma_wait3A_77 = tpu.memref_squeeze %dma_wait3A_76 : memref<1x8192xf32, #tpu.memory_space<hbm>> -> memref<8192xf32, #tpu.memory_space<hbm>>
      tpu.wait_dma2 semaphore(%run_scoped3A : memref<!tpu.dma_semaphore, #tpu.memory_space<semaphore_mem>>) src(%dma_wait3A_77 : memref<8192xf32, #tpu.memory_space<hbm>>) dst(%arg13 : memref<8192xf32, #tpu.memory_space<vmem>>)
      tpu.yield
    }) : () -> ()
    %scan3A_34 = arith.constant 0.000000e+00 : f32
    %scan3A_35 = arith.constant 0 : i32
    %scan3A_36 = arith.constant 512 : i32
    %scan3A_37 = arith.addi %scan3A_35, %scan3A_36 : i32
    %scan3A_38 = arith.constant 1 : i32
    %scan3A_39:2 = scf.for %scan3A_72 = %scan3A_35 to %scan3A_37 step %scan3A_38 iter_args(%scan3A_73 = %broadcast_in_dim3A_19, %scan3A_74 = %broadcast_in_dim3A_21) -> (vector<16xf32>, vector<16xf32>)  : i32 {
      %mul3A_75 = arith.constant 16 : i32
      %mul3A_76 = arith.muli %scan3A_72, %mul3A_75 : i32
      %get3A = arith.index_cast %mul3A_76 : i32 to index
      %get3A_77 = tpu.vector_load %arg11[%get3A] {strides = array<i32>} : memref<8192xf32, #tpu.memory_space<vmem>>, vector<16xf32>,
      %get3A_78 = vector.shape_cast %get3A_77 : vector<16xf32> to vector<16xf32>
      %mul3A_79 = arith.constant 16 : i32
      %mul3A_80 = arith.muli %scan3A_72, %mul3A_79 : i32
      %get3A_81 = arith.index_cast %mul3A_80 : i32 to index
      %get3A_82 = tpu.vector_load %arg12[%get3A_81] {strides = array<i32>} : memref<8192xf32, #tpu.memory_space<vmem>>, vector<16xf32>,
      %get3A_83 = vector.shape_cast %get3A_82 : vector<16xf32> to vector<16xf32>
      %mul3A_84 = arith.constant 16 : i32
      %mul3A_85 = arith.muli %scan3A_72, %mul3A_84 : i32
      %get3A_86 = arith.index_cast %mul3A_85 : i32 to index
      %get3A_87 = tpu.vector_load %arg13[%get3A_86] {strides = array<i32>} : memref<8192xf32, #tpu.memory_space<vmem>>, vector<16xf32>,
      %get3A_88 = vector.shape_cast %get3A_87 : vector<16xf32> to vector<16xf32>
      %add3A_89 = arith.constant 9.99999997E-7 : f32
      %add3A_90 = vector.broadcast %add3A_89 : f32 to vector<16xf32>
      %add3A_91 = arith.addf %get3A_78, %add3A_90 : vector<16xf32>
      %add3A_92 = arith.constant 9.99999997E-7 : f32
      %add3A_93 = vector.broadcast %add3A_92 : f32 to vector<16xf32>
      %add3A_94 = arith.addf %get3A_83, %add3A_93 : vector<16xf32>
      %div3A = arith.divf %add3A_91, %add3A_94 : vector<16xf32>
      %gt3A = arith.constant 0.000000e+00 : f32
      %gt3A_95 = vector.broadcast %gt3A : f32 to vector<16xf32>
      %gt3A_96 = arith.cmpf ogt, %get3A_88, %gt3A_95 : vector<16xf32>
      %broadcast_in_dim3A_97 = vector.broadcast %scan3A_34 : f32 to vector<16xf32>
      %select_n3A = arith.select %gt3A_96, %div3A, %broadcast_in_dim3A_97 : vector<16xi1>, vector<16xf32>
      %add3A_98 = arith.addf %scan3A_73, %select_n3A : vector<16xf32>
      %add3A_99 = arith.addf %scan3A_74, %get3A_88 : vector<16xf32>
      scf.yield %add3A_98, %add3A_99 : vector<16xf32>, vector<16xf32>
    }
    %scan3A_40 = arith.constant 512 : i32
    %mul3A_41 = arith.constant 16384 : i32
    %mul3A_42 = arith.muli %arg1, %mul3A_41 : i32
    %add3A_43 = arith.constant 8192 : i32
    %add3A_44 = arith.addi %mul3A_42, %add3A_43 : i32
    "tpu.region"() ({
      %run_scoped3A = tpu.sem_alloc : memref<!tpu.dma_semaphore, #tpu.memory_space<semaphore_mem>>
      %dma_start3A = tpu.memref_slice %arg15[%add3A_44] : memref<262144xf32, #tpu.memory_space<vmem_shared>> -> memref<8192xf32, #tpu.memory_space<vmem_shared>>
      %dma_start3A_72 = tpu.memref_slice %arg15[%add3A_44] : memref<262144xf32, #tpu.memory_space<vmem_shared>> -> memref<8192xf32, #tpu.memory_space<vmem_shared>>
      tpu.enqueue_dma source(%dma_start3A_72 : memref<8192xf32, #tpu.memory_space<vmem_shared>>) target(%arg11 : memref<8192xf32, #tpu.memory_space<vmem>>) target_semaphore(%run_scoped3A : memref<!tpu.dma_semaphore, #tpu.memory_space<semaphore_mem>>)
      %dma_wait3A = tpu.memref_slice %arg15[%add3A_44] : memref<262144xf32, #tpu.memory_space<vmem_shared>> -> memref<8192xf32, #tpu.memory_space<vmem_shared>>
      %dma_wait3A_73 = tpu.memref_slice %arg15[%add3A_44] : memref<262144xf32, #tpu.memory_space<vmem_shared>> -> memref<8192xf32, #tpu.memory_space<vmem_shared>>
      tpu.wait_dma2 semaphore(%run_scoped3A : memref<!tpu.dma_semaphore, #tpu.memory_space<semaphore_mem>>) src(%dma_wait3A_73 : memref<8192xf32, #tpu.memory_space<vmem_shared>>) dst(%arg11 : memref<8192xf32, #tpu.memory_space<vmem>>)
      tpu.yield
    }) : () -> ()
    %mul3A_45 = arith.constant 16384 : i32
    %mul3A_46 = arith.muli %arg1, %mul3A_45 : i32
    %add3A_47 = arith.constant 8192 : i32
    %add3A_48 = arith.addi %mul3A_46, %add3A_47 : i32
    "tpu.region"() ({
      %run_scoped3A = tpu.sem_alloc : memref<!tpu.dma_semaphore, #tpu.memory_space<semaphore_mem>>
      %dma_start3A = tpu.memref_slice %arg16[%add3A_48] : memref<262144xf32, #tpu.memory_space<vmem_shared>> -> memref<8192xf32, #tpu.memory_space<vmem_shared>>
      %dma_start3A_72 = tpu.memref_slice %arg16[%add3A_48] : memref<262144xf32, #tpu.memory_space<vmem_shared>> -> memref<8192xf32, #tpu.memory_space<vmem_shared>>
      tpu.enqueue_dma source(%dma_start3A_72 : memref<8192xf32, #tpu.memory_space<vmem_shared>>) target(%arg12 : memref<8192xf32, #tpu.memory_space<vmem>>) target_semaphore(%run_scoped3A : memref<!tpu.dma_semaphore, #tpu.memory_space<semaphore_mem>>)
      %dma_wait3A = tpu.memref_slice %arg16[%add3A_48] : memref<262144xf32, #tpu.memory_space<vmem_shared>> -> memref<8192xf32, #tpu.memory_space<vmem_shared>>
      %dma_wait3A_73 = tpu.memref_slice %arg16[%add3A_48] : memref<262144xf32, #tpu.memory_space<vmem_shared>> -> memref<8192xf32, #tpu.memory_space<vmem_shared>>
      tpu.wait_dma2 semaphore(%run_scoped3A : memref<!tpu.dma_semaphore, #tpu.memory_space<semaphore_mem>>) src(%dma_wait3A_73 : memref<8192xf32, #tpu.memory_space<vmem_shared>>) dst(%arg12 : memref<8192xf32, #tpu.memory_space<vmem>>)
      tpu.yield
    }) : () -> ()
    %mul3A_49 = arith.constant 16384 : i32
    %mul3A_50 = arith.muli %arg1, %mul3A_49 : i32
    %add3A_51 = arith.constant 8192 : i32
    %add3A_52 = arith.addi %mul3A_50, %add3A_51 : i32
    "tpu.region"() ({
      %run_scoped3A = tpu.sem_alloc : memref<!tpu.dma_semaphore, #tpu.memory_space<semaphore_mem>>
      %dma_start3A = tpu.memref_slice %arg5[%add3A_1, %add3A_52] : memref<2x262144xf32, #tpu.memory_space<hbm>> -> memref<1x8192xf32, #tpu.memory_space<hbm>>
      %dma_start3A_72 = tpu.memref_squeeze %dma_start3A : memref<1x8192xf32, #tpu.memory_space<hbm>> -> memref<8192xf32, #tpu.memory_space<hbm>>
      %dma_start3A_73 = tpu.memref_slice %arg5[%add3A_1, %add3A_52] : memref<2x262144xf32, #tpu.memory_space<hbm>> -> memref<1x8192xf32, #tpu.memory_space<hbm>>
      %dma_start3A_74 = tpu.memref_squeeze %dma_start3A_73 : memref<1x8192xf32, #tpu.memory_space<hbm>> -> memref<8192xf32, #tpu.memory_space<hbm>>
      tpu.enqueue_dma source(%dma_start3A_74 : memref<8192xf32, #tpu.memory_space<hbm>>) target(%arg13 : memref<8192xf32, #tpu.memory_space<vmem>>) target_semaphore(%run_scoped3A : memref<!tpu.dma_semaphore, #tpu.memory_space<semaphore_mem>>)
      %dma_wait3A = tpu.memref_slice %arg5[%add3A_1, %add3A_52] : memref<2x262144xf32, #tpu.memory_space<hbm>> -> memref<1x8192xf32, #tpu.memory_space<hbm>>
      %dma_wait3A_75 = tpu.memref_squeeze %dma_wait3A : memref<1x8192xf32, #tpu.memory_space<hbm>> -> memref<8192xf32, #tpu.memory_space<hbm>>
      %dma_wait3A_76 = tpu.memref_slice %arg5[%add3A_1, %add3A_52] : memref<2x262144xf32, #tpu.memory_space<hbm>> -> memref<1x8192xf32, #tpu.memory_space<hbm>>
      %dma_wait3A_77 = tpu.memref_squeeze %dma_wait3A_76 : memref<1x8192xf32, #tpu.memory_space<hbm>> -> memref<8192xf32, #tpu.memory_space<hbm>>
      tpu.wait_dma2 semaphore(%run_scoped3A : memref<!tpu.dma_semaphore, #tpu.memory_space<semaphore_mem>>) src(%dma_wait3A_77 : memref<8192xf32, #tpu.memory_space<hbm>>) dst(%arg13 : memref<8192xf32, #tpu.memory_space<vmem>>)
      tpu.yield
    }) : () -> ()
    %scan3A_53 = arith.constant 0.000000e+00 : f32
    %scan3A_54 = arith.constant 0 : i32
    %scan3A_55 = arith.constant 512 : i32
    %scan3A_56 = arith.addi %scan3A_54, %scan3A_55 : i32
    %scan3A_57 = arith.constant 1 : i32
    %scan3A_58:2 = scf.for %scan3A_72 = %scan3A_54 to %scan3A_56 step %scan3A_57 iter_args(%scan3A_73 = %scan3A_39#0, %scan3A_74 = %scan3A_39#1) -> (vector<16xf32>, vector<16xf32>)  : i32 {
      %mul3A_75 = arith.constant 16 : i32
      %mul3A_76 = arith.muli %scan3A_72, %mul3A_75 : i32
      %get3A = arith.index_cast %mul3A_76 : i32 to index
      %get3A_77 = tpu.vector_load %arg11[%get3A] {strides = array<i32>} : memref<8192xf32, #tpu.memory_space<vmem>>, vector<16xf32>,
      %get3A_78 = vector.shape_cast %get3A_77 : vector<16xf32> to vector<16xf32>
      %mul3A_79 = arith.constant 16 : i32
      %mul3A_80 = arith.muli %scan3A_72, %mul3A_79 : i32
      %get3A_81 = arith.index_cast %mul3A_80 : i32 to index
      %get3A_82 = tpu.vector_load %arg12[%get3A_81] {strides = array<i32>} : memref<8192xf32, #tpu.memory_space<vmem>>, vector<16xf32>,
      %get3A_83 = vector.shape_cast %get3A_82 : vector<16xf32> to vector<16xf32>
      %mul3A_84 = arith.constant 16 : i32
      %mul3A_85 = arith.muli %scan3A_72, %mul3A_84 : i32
      %get3A_86 = arith.index_cast %mul3A_85 : i32 to index
      %get3A_87 = tpu.vector_load %arg13[%get3A_86] {strides = array<i32>} : memref<8192xf32, #tpu.memory_space<vmem>>, vector<16xf32>,
      %get3A_88 = vector.shape_cast %get3A_87 : vector<16xf32> to vector<16xf32>
      %add3A_89 = arith.constant 9.99999997E-7 : f32
      %add3A_90 = vector.broadcast %add3A_89 : f32 to vector<16xf32>
      %add3A_91 = arith.addf %get3A_78, %add3A_90 : vector<16xf32>
      %add3A_92 = arith.constant 9.99999997E-7 : f32
      %add3A_93 = vector.broadcast %add3A_92 : f32 to vector<16xf32>
      %add3A_94 = arith.addf %get3A_83, %add3A_93 : vector<16xf32>
      %div3A = arith.divf %add3A_91, %add3A_94 : vector<16xf32>
      %gt3A = arith.constant 0.000000e+00 : f32
      %gt3A_95 = vector.broadcast %gt3A : f32 to vector<16xf32>
      %gt3A_96 = arith.cmpf ogt, %get3A_88, %gt3A_95 : vector<16xf32>
      %broadcast_in_dim3A_97 = vector.broadcast %scan3A_53 : f32 to vector<16xf32>
      %select_n3A = arith.select %gt3A_96, %div3A, %broadcast_in_dim3A_97 : vector<16xi1>, vector<16xf32>
      %add3A_98 = arith.addf %scan3A_73, %select_n3A : vector<16xf32>
      %add3A_99 = arith.addf %scan3A_74, %get3A_88 : vector<16xf32>
      scf.yield %add3A_98, %add3A_99 : vector<16xf32>, vector<16xf32>
    }
    %scan3A_59 = arith.constant 512 : i32
    %swap3A = arith.constant 0 : i32
    %swap3A_60 = arith.index_cast %swap3A : i32 to index
    %swap3A_61 = arith.constant 0 : index
    %swap3A_62 = tpu.vector_load %arg14[%swap3A_60, %swap3A_61] {strides = array<i32>} : memref<2x16xf32, #tpu.memory_space<vmem>>, vector<1x16xf32>,
    %swap3A_63 = vector.shape_cast %swap3A_62 : vector<1x16xf32> to vector<16xf32>
    %swap3A_64 = vector.shape_cast %scan3A_58#0 : vector<16xf32> to vector<1x16xf32>
    tpu.vector_store %arg14[%swap3A_60, %swap3A_61], %swap3A_64 {strides = array<i32>} : memref<2x16xf32, #tpu.memory_space<vmem>>, vector<1x16xf32>,
    %swap3A_65 = arith.constant 1 : i32
    %swap3A_66 = arith.index_cast %swap3A_65 : i32 to index
    %swap3A_67 = arith.constant 0 : index
    %swap3A_68 = tpu.vector_load %arg14[%swap3A_66, %swap3A_67] {strides = array<i32>} : memref<2x16xf32, #tpu.memory_space<vmem>>, vector<1x16xf32>,
    %swap3A_69 = vector.shape_cast %swap3A_68 : vector<1x16xf32> to vector<16xf32>
    %swap3A_70 = vector.shape_cast %scan3A_58#1 : vector<16xf32> to vector<1x16xf32>
    tpu.vector_store %arg14[%swap3A_66, %swap3A_67], %swap3A_70 {strides = array<i32>} : memref<2x16xf32, #tpu.memory_space<vmem>>, vector<1x16xf32>,
    "tpu.region"() ({
      %run_scoped3A = tpu.sem_alloc : memref<!tpu.dma_semaphore, #tpu.memory_space<semaphore_mem>>
      %dma_start3A = arith.constant 0 : i32
      %dma_start3A_72 = arith.constant 0 : i32
      %dma_start3A_73 = tpu.memref_slice %arg7[%add3A_1, %arg1, %dma_start3A, %dma_start3A_72] : memref<2x16x2x16xf32, #tpu.memory_space<hbm>> -> memref<1x1x2x16xf32, #tpu.memory_space<hbm>>
      %dma_start3A_74 = tpu.memref_squeeze %dma_start3A_73 : memref<1x1x2x16xf32, #tpu.memory_space<hbm>> -> memref<2x16xf32, #tpu.memory_space<hbm>>
      %dma_start3A_75 = arith.constant 0 : i32
      %dma_start3A_76 = arith.constant 0 : i32
      %dma_start3A_77 = tpu.memref_slice %arg7[%add3A_1, %arg1, %dma_start3A_75, %dma_start3A_76] : memref<2x16x2x16xf32, #tpu.memory_space<hbm>> -> memref<1x1x2x16xf32, #tpu.memory_space<hbm>>
      %dma_start3A_78 = tpu.memref_squeeze %dma_start3A_77 : memref<1x1x2x16xf32, #tpu.memory_space<hbm>> -> memref<2x16xf32, #tpu.memory_space<hbm>>
      tpu.enqueue_dma source(%arg14 : memref<2x16xf32, #tpu.memory_space<vmem>>) target(%dma_start3A_78 : memref<2x16xf32, #tpu.memory_space<hbm>>) target_semaphore(%run_scoped3A : memref<!tpu.dma_semaphore, #tpu.memory_space<semaphore_mem>>)
      %dma_wait3A = arith.constant 0 : i32
      %dma_wait3A_79 = arith.constant 0 : i32
      %dma_wait3A_80 = tpu.memref_slice %arg7[%add3A_1, %arg1, %dma_wait3A, %dma_wait3A_79] : memref<2x16x2x16xf32, #tpu.memory_space<hbm>> -> memref<1x1x2x16xf32, #tpu.memory_space<hbm>>
      %dma_wait3A_81 = tpu.memref_squeeze %dma_wait3A_80 : memref<1x1x2x16xf32, #tpu.memory_space<hbm>> -> memref<2x16xf32, #tpu.memory_space<hbm>>
      %dma_wait3A_82 = arith.constant 0 : i32
      %dma_wait3A_83 = arith.constant 0 : i32
      %dma_wait3A_84 = tpu.memref_slice %arg7[%add3A_1, %arg1, %dma_wait3A_82, %dma_wait3A_83] : memref<2x16x2x16xf32, #tpu.memory_space<hbm>> -> memref<1x1x2x16xf32, #tpu.memory_space<hbm>>
      %dma_wait3A_85 = tpu.memref_squeeze %dma_wait3A_84 : memref<1x1x2x16xf32, #tpu.memory_space<hbm>> -> memref<2x16xf32, #tpu.memory_space<hbm>>
      tpu.wait_dma2 semaphore(%run_scoped3A : memref<!tpu.dma_semaphore, #tpu.memory_space<semaphore_mem>>) src(%arg14 : memref<2x16xf32, #tpu.memory_space<vmem>>) dst(%dma_wait3A_85 : memref<2x16xf32, #tpu.memory_space<hbm>>)
      tpu.yield
    }) : () -> ()
    %barrier3A_71 = arith.constant 0 : index
    tpu.barrier barrier_id(%barrier3A_71)
    return
  }
}

#map = affine_map<(d0, d1) -> (0, 0, 0)>
#map1 = affine_map<(d0, d1) -> (0, 0)>
#map2 = affine_map<(d0, d1) -> (0)>
#map3 = affine_map<(d0, d1) -> (0, 0, 0, 0)>
module attributes {stable_mosaic.version = 14 : i64} {
  func.func @sc_fn(%arg0: i32, %arg1: i32, %arg2: memref<2x2048x128xi32, #tpu.memory_space<hbm>>, %arg3: memref<2x2048x128xf32, #tpu.memory_space<hbm>>, %arg4: memref<2x2048x128xf32, #tpu.memory_space<hbm>>, %arg5: memref<2x262144xf32, #tpu.memory_space<hbm>>, %arg6: memref<16384xf32, #tpu.memory_space<hbm>>, %arg7: memref<2x16x2x16xf32, #tpu.memory_space<hbm>>, %arg8: memref<128x128xi32, #tpu.memory_space<vmem>>, %arg9: memref<128x128xf32, #tpu.memory_space<vmem>>, %arg10: memref<128x128xf32, #tpu.memory_space<vmem>>, %arg11: memref<8192xf32, #tpu.memory_space<vmem>>, %arg12: memref<8192xf32, #tpu.memory_space<vmem>>, %arg13: memref<8192xf32, #tpu.memory_space<vmem>>, %arg14: memref<2x16xf32, #tpu.memory_space<vmem>>, %arg15: memref<262144xf32, #tpu.memory_space<vmem_shared>>, %arg16: memref<262144xf32, #tpu.memory_space<vmem_shared>>, %arg17: memref<!tpu.dma_semaphore, #tpu.memory_space<semaphore_mem>>) attributes {dimension_semantics = [#tpu.dimension_semantics<core_parallel>, #tpu.dimension_semantics<subcore_parallel>], iteration_bounds = array<i64: 2, 16>, scalar_prefetch = 0 : i64, scratch_operands = 10 : i64, tpu.core_type = #tpu.core_type<sc_vector_subcore>, window_params = [{transform_indices = #map}, {transform_indices = #map}, {transform_indices = #map}, {transform_indices = #map1}, {transform_indices = #map2}, {transform_indices = #map3}]} {
    %iota3A = tpu.iota {dimensions = array<i32: 0>} : vector<16xi32>
    %mul3A = arith.constant 1 : i32
    %mul3A_0 = arith.muli %arg0, %mul3A : i32
    %add3A = arith.constant 0 : i32
    %add3A_1 = arith.addi %mul3A_0, %add3A : i32
    %mul3A_2 = arith.constant 16384 : i32
    %mul3A_3 = arith.muli %arg1, %mul3A_2 : i32
    "tpu.region"() ({
      %run_scoped3A = tpu.sem_alloc : memref<!tpu.dma_semaphore, #tpu.memory_space<semaphore_mem>>
      %dma_start3A = tpu.memref_slice %arg15[%mul3A_3] : memref<262144xf32, #tpu.memory_space<vmem_shared>> -> memref<16384xf32, #tpu.memory_space<vmem_shared>>
      tpu.enqueue_dma source(%arg6 : memref<16384xf32, #tpu.memory_space<hbm>>) target(%dma_start3A : memref<16384xf32, #tpu.memory_space<vmem_shared>>) target_semaphore(%run_scoped3A : memref<!tpu.dma_semaphore, #tpu.memory_space<semaphore_mem>>)
      %dma_wait3A = tpu.memref_slice %arg15[%mul3A_3] : memref<262144xf32, #tpu.memory_space<vmem_shared>> -> memref<16384xf32, #tpu.memory_space<vmem_shared>>
      tpu.wait_dma2 semaphore(%run_scoped3A : memref<!tpu.dma_semaphore, #tpu.memory_space<semaphore_mem>>) src(%arg6 : memref<16384xf32, #tpu.memory_space<hbm>>) dst(%dma_wait3A : memref<16384xf32, #tpu.memory_space<vmem_shared>>)
      tpu.yield
    }) : () -> ()
    %mul3A_4 = arith.constant 16384 : i32
    %mul3A_5 = arith.muli %arg1, %mul3A_4 : i32
    "tpu.region"() ({
      %run_scoped3A = tpu.sem_alloc : memref<!tpu.dma_semaphore, #tpu.memory_space<semaphore_mem>>
      %dma_start3A = tpu.memref_slice %arg16[%mul3A_5] : memref<262144xf32, #tpu.memory_space<vmem_shared>> -> memref<16384xf32, #tpu.memory_space<vmem_shared>>
      tpu.enqueue_dma source(%arg6 : memref<16384xf32, #tpu.memory_space<hbm>>) target(%dma_start3A : memref<16384xf32, #tpu.memory_space<vmem_shared>>) target_semaphore(%run_scoped3A : memref<!tpu.dma_semaphore, #tpu.memory_space<semaphore_mem>>)
      %dma_wait3A = tpu.memref_slice %arg16[%mul3A_5] : memref<262144xf32, #tpu.memory_space<vmem_shared>> -> memref<16384xf32, #tpu.memory_space<vmem_shared>>
      tpu.wait_dma2 semaphore(%run_scoped3A : memref<!tpu.dma_semaphore, #tpu.memory_space<semaphore_mem>>) src(%arg6 : memref<16384xf32, #tpu.memory_space<hbm>>) dst(%dma_wait3A : memref<16384xf32, #tpu.memory_space<vmem_shared>>)
      tpu.yield
    }) : () -> ()
    %mul3A_6 = arith.constant 128 : i32
    %mul3A_7 = arith.muli %arg1, %mul3A_6 : i32
    "tpu.region"() ({
      %run_scoped3A = tpu.sem_alloc : memref<!tpu.dma_semaphore, #tpu.memory_space<semaphore_mem>>
      %dma_start3A = arith.constant 0 : i32
      %dma_start3A_72 = tpu.memref_slice %arg2[%add3A_1, %mul3A_7, %dma_start3A] : memref<2x2048x128xi32, #tpu.memory_space<hbm>> -> memref<1x128x128xi32, #tpu.memory_space<hbm>>
      %dma_start3A_73 = tpu.memref_squeeze %dma_start3A_72 : memref<1x128x128xi32, #tpu.memory_space<hbm>> -> memref<128x128xi32, #tpu.memory_space<hbm>>
      %dma_start3A_74 = arith.constant 0 : i32
      %dma_start3A_75 = tpu.memref_slice %arg2[%add3A_1, %mul3A_7, %dma_start3A_74] : memref<2x2048x128xi32, #tpu.memory_space<hbm>> -> memref<1x128x128xi32, #tpu.memory_space<hbm>>
      %dma_start3A_76 = tpu.memref_squeeze %dma_start3A_75 : memref<1x128x128xi32, #tpu.memory_space<hbm>> -> memref<128x128xi32, #tpu.memory_space<hbm>>
      tpu.enqueue_dma source(%dma_start3A_76 : memref<128x128xi32, #tpu.memory_space<hbm>>) target(%arg8 : memref<128x128xi32, #tpu.memory_space<vmem>>) target_semaphore(%run_scoped3A : memref<!tpu.dma_semaphore, #tpu.memory_space<semaphore_mem>>)
      %dma_wait3A = arith.constant 0 : i32
      %dma_wait3A_77 = tpu.memref_slice %arg2[%add3A_1, %mul3A_7, %dma_wait3A] : memref<2x2048x128xi32, #tpu.memory_space<hbm>> -> memref<1x128x128xi32, #tpu.memory_space<hbm>>
      %dma_wait3A_78 = tpu.memref_squeeze %dma_wait3A_77 : memref<1x128x128xi32, #tpu.memory_space<hbm>> -> memref<128x128xi32, #tpu.memory_space<hbm>>
      %dma_wait3A_79 = arith.constant 0 : i32
      %dma_wait3A_80 = tpu.memref_slice %arg2[%add3A_1, %mul3A_7, %dma_wait3A_79] : memref<2x2048x128xi32, #tpu.memory_space<hbm>> -> memref<1x128x128xi32, #tpu.memory_space<hbm>>
      %dma_wait3A_81 = tpu.memref_squeeze %dma_wait3A_80 : memref<1x128x128xi32, #tpu.memory_space<hbm>> -> memref<128x128xi32, #tpu.memory_space<hbm>>
      tpu.wait_dma2 semaphore(%run_scoped3A : memref<!tpu.dma_semaphore, #tpu.memory_space<semaphore_mem>>) src(%dma_wait3A_81 : memref<128x128xi32, #tpu.memory_space<hbm>>) dst(%arg8 : memref<128x128xi32, #tpu.memory_space<vmem>>)
      tpu.yield
    }) : () -> ()
    %mul3A_8 = arith.constant 128 : i32
    %mul3A_9 = arith.muli %arg1, %mul3A_8 : i32
    "tpu.region"() ({
      %run_scoped3A = tpu.sem_alloc : memref<!tpu.dma_semaphore, #tpu.memory_space<semaphore_mem>>
      %dma_start3A = arith.constant 0 : i32
      %dma_start3A_72 = tpu.memref_slice %arg3[%add3A_1, %mul3A_9, %dma_start3A] : memref<2x2048x128xf32, #tpu.memory_space<hbm>> -> memref<1x128x128xf32, #tpu.memory_space<hbm>>
      %dma_start3A_73 = tpu.memref_squeeze %dma_start3A_72 : memref<1x128x128xf32, #tpu.memory_space<hbm>> -> memref<128x128xf32, #tpu.memory_space<hbm>>
      %dma_start3A_74 = arith.constant 0 : i32
      %dma_start3A_75 = tpu.memref_slice %arg3[%add3A_1, %mul3A_9, %dma_start3A_74] : memref<2x2048x128xf32, #tpu.memory_space<hbm>> -> memref<1x128x128xf32, #tpu.memory_space<hbm>>
      %dma_start3A_76 = tpu.memref_squeeze %dma_start3A_75 : memref<1x128x128xf32, #tpu.memory_space<hbm>> -> memref<128x128xf32, #tpu.memory_space<hbm>>
      tpu.enqueue_dma source(%dma_start3A_76 : memref<128x128xf32, #tpu.memory_space<hbm>>) target(%arg9 : memref<128x128xf32, #tpu.memory_space<vmem>>) target_semaphore(%run_scoped3A : memref<!tpu.dma_semaphore, #tpu.memory_space<semaphore_mem>>)
      %dma_wait3A = arith.constant 0 : i32
      %dma_wait3A_77 = tpu.memref_slice %arg3[%add3A_1, %mul3A_9, %dma_wait3A] : memref<2x2048x128xf32, #tpu.memory_space<hbm>> -> memref<1x128x128xf32, #tpu.memory_space<hbm>>
      %dma_wait3A_78 = tpu.memref_squeeze %dma_wait3A_77 : memref<1x128x128xf32, #tpu.memory_space<hbm>> -> memref<128x128xf32, #tpu.memory_space<hbm>>
      %dma_wait3A_79 = arith.constant 0 : i32
      %dma_wait3A_80 = tpu.memref_slice %arg3[%add3A_1, %mul3A_9, %dma_wait3A_79] : memref<2x2048x128xf32, #tpu.memory_space<hbm>> -> memref<1x128x128xf32, #tpu.memory_space<hbm>>
      %dma_wait3A_81 = tpu.memref_squeeze %dma_wait3A_80 : memref<1x128x128xf32, #tpu.memory_space<hbm>> -> memref<128x128xf32, #tpu.memory_space<hbm>>
      tpu.wait_dma2 semaphore(%run_scoped3A : memref<!tpu.dma_semaphore, #tpu.memory_space<semaphore_mem>>) src(%dma_wait3A_81 : memref<128x128xf32, #tpu.memory_space<hbm>>) dst(%arg9 : memref<128x128xf32, #tpu.memory_space<vmem>>)
      tpu.yield
    }) : () -> ()
    %mul3A_10 = arith.constant 128 : i32
    %mul3A_11 = arith.muli %arg1, %mul3A_10 : i32
    "tpu.region"() ({
      %run_scoped3A = tpu.sem_alloc : memref<!tpu.dma_semaphore, #tpu.memory_space<semaphore_mem>>
      %dma_start3A = arith.constant 0 : i32
      %dma_start3A_72 = tpu.memref_slice %arg4[%add3A_1, %mul3A_11, %dma_start3A] : memref<2x2048x128xf32, #tpu.memory_space<hbm>> -> memref<1x128x128xf32, #tpu.memory_space<hbm>>
      %dma_start3A_73 = tpu.memref_squeeze %dma_start3A_72 : memref<1x128x128xf32, #tpu.memory_space<hbm>> -> memref<128x128xf32, #tpu.memory_space<hbm>>
      %dma_start3A_74 = arith.constant 0 : i32
      %dma_start3A_75 = tpu.memref_slice %arg4[%add3A_1, %mul3A_11, %dma_start3A_74] : memref<2x2048x128xf32, #tpu.memory_space<hbm>> -> memref<1x128x128xf32, #tpu.memory_space<hbm>>
      %dma_start3A_76 = tpu.memref_squeeze %dma_start3A_75 : memref<1x128x128xf32, #tpu.memory_space<hbm>> -> memref<128x128xf32, #tpu.memory_space<hbm>>
      tpu.enqueue_dma source(%dma_start3A_76 : memref<128x128xf32, #tpu.memory_space<hbm>>) target(%arg10 : memref<128x128xf32, #tpu.memory_space<vmem>>) target_semaphore(%run_scoped3A : memref<!tpu.dma_semaphore, #tpu.memory_space<semaphore_mem>>)
      %dma_wait3A = arith.constant 0 : i32
      %dma_wait3A_77 = tpu.memref_slice %arg4[%add3A_1, %mul3A_11, %dma_wait3A] : memref<2x2048x128xf32, #tpu.memory_space<hbm>> -> memref<1x128x128xf32, #tpu.memory_space<hbm>>
      %dma_wait3A_78 = tpu.memref_squeeze %dma_wait3A_77 : memref<1x128x128xf32, #tpu.memory_space<hbm>> -> memref<128x128xf32, #tpu.memory_space<hbm>>
      %dma_wait3A_79 = arith.constant 0 : i32
      %dma_wait3A_80 = tpu.memref_slice %arg4[%add3A_1, %mul3A_11, %dma_wait3A_79] : memref<2x2048x128xf32, #tpu.memory_space<hbm>> -> memref<1x128x128xf32, #tpu.memory_space<hbm>>
      %dma_wait3A_81 = tpu.memref_squeeze %dma_wait3A_80 : memref<1x128x128xf32, #tpu.memory_space<hbm>> -> memref<128x128xf32, #tpu.memory_space<hbm>>
      tpu.wait_dma2 semaphore(%run_scoped3A : memref<!tpu.dma_semaphore, #tpu.memory_space<semaphore_mem>>) src(%dma_wait3A_81 : memref<128x128xf32, #tpu.memory_space<hbm>>) dst(%arg10 : memref<128x128xf32, #tpu.memory_space<vmem>>)
      tpu.yield
    }) : () -> ()
    %barrier3A = arith.constant 0 : index
    tpu.barrier barrier_id(%barrier3A)
    %scan3A = arith.constant 0 : i32
    %scan3A_12 = arith.constant 0 : i32
    %scan3A_13 = arith.constant 32 : i32
    %scan3A_14 = arith.addi %scan3A_12, %scan3A_13 : i32
    %scan3A_15 = arith.constant 1 : i32
    %scan3A_16 = scf.for %scan3A_72 = %scan3A_12 to %scan3A_14 step %scan3A_15 iter_args(%scan3A_73 = %scan3A) -> (i32)  : i32 {
      %mul3A_74 = arith.constant 4 : i32
      %mul3A_75 = arith.muli %scan3A_72, %mul3A_74 : i32
      %add3A_76 = arith.constant 0 : i32
      %add3A_77 = arith.addi %mul3A_75, %add3A_76 : i32
      %dma_start3A = arith.constant 0 : i32
      %dma_start3A_78 = tpu.memref_slice %arg9[%add3A_77, %dma_start3A] : memref<128x128xf32, #tpu.memory_space<vmem>> -> memref<1x128xf32, #tpu.memory_space<vmem>>
      %dma_start3A_79 = tpu.memref_squeeze %dma_start3A_78 : memref<1x128xf32, #tpu.memory_space<vmem>> -> memref<128xf32, #tpu.memory_space<vmem>>
      %dma_start3A_80 = arith.constant 0 : i32
      %dma_start3A_81 = tpu.memref_slice %arg8[%add3A_77, %dma_start3A_80] : memref<128x128xi32, #tpu.memory_space<vmem>> -> memref<1x128xi32, #tpu.memory_space<vmem>>
      %dma_start3A_82 = tpu.memref_squeeze %dma_start3A_81 : memref<1x128xi32, #tpu.memory_space<vmem>> -> memref<128xi32, #tpu.memory_space<vmem>>
      %dma_start3A_83 = arith.constant 0 : i32
      %dma_start3A_84 = tpu.memref_slice %arg15[%dma_start3A_83] : memref<262144xf32, #tpu.memory_space<vmem_shared>> -> memref<262144xf32, #tpu.memory_space<vmem_shared>>
      tpu.enqueue_indirect_dma source(%dma_start3A_79 : memref<128xf32, #tpu.memory_space<vmem>>) target(%dma_start3A_84 : memref<262144xf32, #tpu.memory_space<vmem_shared>>) offsets(%dma_start3A_82 : memref<128xi32, #tpu.memory_space<vmem>>) semaphore(%arg17 : memref<!tpu.dma_semaphore, #tpu.memory_space<semaphore_mem>>) {add = true}
      %dma_start3A_85 = arith.constant 0 : i32
      %dma_start3A_86 = tpu.memref_slice %arg10[%add3A_77, %dma_start3A_85] : memref<128x128xf32, #tpu.memory_space<vmem>> -> memref<1x128xf32, #tpu.memory_space<vmem>>
      %dma_start3A_87 = tpu.memref_squeeze %dma_start3A_86 : memref<1x128xf32, #tpu.memory_space<vmem>> -> memref<128xf32, #tpu.memory_space<vmem>>
      %dma_start3A_88 = arith.constant 0 : i32
      %dma_start3A_89 = tpu.memref_slice %arg8[%add3A_77, %dma_start3A_88] : memref<128x128xi32, #tpu.memory_space<vmem>> -> memref<1x128xi32, #tpu.memory_space<vmem>>
      %dma_start3A_90 = tpu.memref_squeeze %dma_start3A_89 : memref<1x128xi32, #tpu.memory_space<vmem>> -> memref<128xi32, #tpu.memory_space<vmem>>
      %dma_start3A_91 = arith.constant 0 : i32
      %dma_start3A_92 = tpu.memref_slice %arg16[%dma_start3A_91] : memref<262144xf32, #tpu.memory_space<vmem_shared>> -> memref<262144xf32, #tpu.memory_space<vmem_shared>>
      tpu.enqueue_indirect_dma source(%dma_start3A_87 : memref<128xf32, #tpu.memory_space<vmem>>) target(%dma_start3A_92 : memref<262144xf32, #tpu.memory_space<vmem_shared>>) offsets(%dma_start3A_90 : memref<128xi32, #tpu.memory_space<vmem>>) semaphore(%arg17 : memref<!tpu.dma_semaphore, #tpu.memory_space<semaphore_mem>>) {add = true}
      %mul3A_93 = arith.constant 4 : i32
      %mul3A_94 = arith.muli %scan3A_72, %mul3A_93 : i32
      %add3A_95 = arith.constant 1 : i32
      %add3A_96 = arith.addi %mul3A_94, %add3A_95 : i32
      %dma_start3A_97 = arith.constant 0 : i32
      %dma_start3A_98 = tpu.memref_slice %arg9[%add3A_96, %dma_start3A_97] : memref<128x128xf32, #tpu.memory_space<vmem>> -> memref<1x128xf32, #tpu.memory_space<vmem>>
      %dma_start3A_99 = tpu.memref_squeeze %dma_start3A_98 : memref<1x128xf32, #tpu.memory_space<vmem>> -> memref<128xf32, #tpu.memory_space<vmem>>
      %dma_start3A_100 = arith.constant 0 : i32
      %dma_start3A_101 = tpu.memref_slice %arg8[%add3A_96, %dma_start3A_100] : memref<128x128xi32, #tpu.memory_space<vmem>> -> memref<1x128xi32, #tpu.memory_space<vmem>>
      %dma_start3A_102 = tpu.memref_squeeze %dma_start3A_101 : memref<1x128xi32, #tpu.memory_space<vmem>> -> memref<128xi32, #tpu.memory_space<vmem>>
      %dma_start3A_103 = arith.constant 0 : i32
      %dma_start3A_104 = tpu.memref_slice %arg15[%dma_start3A_103] : memref<262144xf32, #tpu.memory_space<vmem_shared>> -> memref<262144xf32, #tpu.memory_space<vmem_shared>>
      tpu.enqueue_indirect_dma source(%dma_start3A_99 : memref<128xf32, #tpu.memory_space<vmem>>) target(%dma_start3A_104 : memref<262144xf32, #tpu.memory_space<vmem_shared>>) offsets(%dma_start3A_102 : memref<128xi32, #tpu.memory_space<vmem>>) semaphore(%arg17 : memref<!tpu.dma_semaphore, #tpu.memory_space<semaphore_mem>>) {add = true}
      %dma_start3A_105 = arith.constant 0 : i32
      %dma_start3A_106 = tpu.memref_slice %arg10[%add3A_96, %dma_start3A_105] : memref<128x128xf32, #tpu.memory_space<vmem>> -> memref<1x128xf32, #tpu.memory_space<vmem>>
      %dma_start3A_107 = tpu.memref_squeeze %dma_start3A_106 : memref<1x128xf32, #tpu.memory_space<vmem>> -> memref<128xf32, #tpu.memory_space<vmem>>
      %dma_start3A_108 = arith.constant 0 : i32
      %dma_start3A_109 = tpu.memref_slice %arg8[%add3A_96, %dma_start3A_108] : memref<128x128xi32, #tpu.memory_space<vmem>> -> memref<1x128xi32, #tpu.memory_space<vmem>>
      %dma_start3A_110 = tpu.memref_squeeze %dma_start3A_109 : memref<1x128xi32, #tpu.memory_space<vmem>> -> memref<128xi32, #tpu.memory_space<vmem>>
      %dma_start3A_111 = arith.constant 0 : i32
      %dma_start3A_112 = tpu.memref_slice %arg16[%dma_start3A_111] : memref<262144xf32, #tpu.memory_space<vmem_shared>> -> memref<262144xf32, #tpu.memory_space<vmem_shared>>
      tpu.enqueue_indirect_dma source(%dma_start3A_107 : memref<128xf32, #tpu.memory_space<vmem>>) target(%dma_start3A_112 : memref<262144xf32, #tpu.memory_space<vmem_shared>>) offsets(%dma_start3A_110 : memref<128xi32, #tpu.memory_space<vmem>>) semaphore(%arg17 : memref<!tpu.dma_semaphore, #tpu.memory_space<semaphore_mem>>) {add = true}
      %mul3A_113 = arith.constant 4 : i32
      %mul3A_114 = arith.muli %scan3A_72, %mul3A_113 : i32
      %add3A_115 = arith.constant 2 : i32
      %add3A_116 = arith.addi %mul3A_114, %add3A_115 : i32
      %dma_start3A_117 = arith.constant 0 : i32
      %dma_start3A_118 = tpu.memref_slice %arg9[%add3A_116, %dma_start3A_117] : memref<128x128xf32, #tpu.memory_space<vmem>> -> memref<1x128xf32, #tpu.memory_space<vmem>>
      %dma_start3A_119 = tpu.memref_squeeze %dma_start3A_118 : memref<1x128xf32, #tpu.memory_space<vmem>> -> memref<128xf32, #tpu.memory_space<vmem>>
      %dma_start3A_120 = arith.constant 0 : i32
      %dma_start3A_121 = tpu.memref_slice %arg8[%add3A_116, %dma_start3A_120] : memref<128x128xi32, #tpu.memory_space<vmem>> -> memref<1x128xi32, #tpu.memory_space<vmem>>
      %dma_start3A_122 = tpu.memref_squeeze %dma_start3A_121 : memref<1x128xi32, #tpu.memory_space<vmem>> -> memref<128xi32, #tpu.memory_space<vmem>>
      %dma_start3A_123 = arith.constant 0 : i32
      %dma_start3A_124 = tpu.memref_slice %arg15[%dma_start3A_123] : memref<262144xf32, #tpu.memory_space<vmem_shared>> -> memref<262144xf32, #tpu.memory_space<vmem_shared>>
      tpu.enqueue_indirect_dma source(%dma_start3A_119 : memref<128xf32, #tpu.memory_space<vmem>>) target(%dma_start3A_124 : memref<262144xf32, #tpu.memory_space<vmem_shared>>) offsets(%dma_start3A_122 : memref<128xi32, #tpu.memory_space<vmem>>) semaphore(%arg17 : memref<!tpu.dma_semaphore, #tpu.memory_space<semaphore_mem>>) {add = true}
      %dma_start3A_125 = arith.constant 0 : i32
      %dma_start3A_126 = tpu.memref_slice %arg10[%add3A_116, %dma_start3A_125] : memref<128x128xf32, #tpu.memory_space<vmem>> -> memref<1x128xf32, #tpu.memory_space<vmem>>
      %dma_start3A_127 = tpu.memref_squeeze %dma_start3A_126 : memref<1x128xf32, #tpu.memory_space<vmem>> -> memref<128xf32, #tpu.memory_space<vmem>>
      %dma_start3A_128 = arith.constant 0 : i32
      %dma_start3A_129 = tpu.memref_slice %arg8[%add3A_116, %dma_start3A_128] : memref<128x128xi32, #tpu.memory_space<vmem>> -> memref<1x128xi32, #tpu.memory_space<vmem>>
      %dma_start3A_130 = tpu.memref_squeeze %dma_start3A_129 : memref<1x128xi32, #tpu.memory_space<vmem>> -> memref<128xi32, #tpu.memory_space<vmem>>
      %dma_start3A_131 = arith.constant 0 : i32
      %dma_start3A_132 = tpu.memref_slice %arg16[%dma_start3A_131] : memref<262144xf32, #tpu.memory_space<vmem_shared>> -> memref<262144xf32, #tpu.memory_space<vmem_shared>>
      tpu.enqueue_indirect_dma source(%dma_start3A_127 : memref<128xf32, #tpu.memory_space<vmem>>) target(%dma_start3A_132 : memref<262144xf32, #tpu.memory_space<vmem_shared>>) offsets(%dma_start3A_130 : memref<128xi32, #tpu.memory_space<vmem>>) semaphore(%arg17 : memref<!tpu.dma_semaphore, #tpu.memory_space<semaphore_mem>>) {add = true}
      %mul3A_133 = arith.constant 4 : i32
      %mul3A_134 = arith.muli %scan3A_72, %mul3A_133 : i32
      %add3A_135 = arith.constant 3 : i32
      %add3A_136 = arith.addi %mul3A_134, %add3A_135 : i32
      %dma_start3A_137 = arith.constant 0 : i32
      %dma_start3A_138 = tpu.memref_slice %arg9[%add3A_136, %dma_start3A_137] : memref<128x128xf32, #tpu.memory_space<vmem>> -> memref<1x128xf32, #tpu.memory_space<vmem>>
      %dma_start3A_139 = tpu.memref_squeeze %dma_start3A_138 : memref<1x128xf32, #tpu.memory_space<vmem>> -> memref<128xf32, #tpu.memory_space<vmem>>
      %dma_start3A_140 = arith.constant 0 : i32
      %dma_start3A_141 = tpu.memref_slice %arg8[%add3A_136, %dma_start3A_140] : memref<128x128xi32, #tpu.memory_space<vmem>> -> memref<1x128xi32, #tpu.memory_space<vmem>>
      %dma_start3A_142 = tpu.memref_squeeze %dma_start3A_141 : memref<1x128xi32, #tpu.memory_space<vmem>> -> memref<128xi32, #tpu.memory_space<vmem>>
      %dma_start3A_143 = arith.constant 0 : i32
      %dma_start3A_144 = tpu.memref_slice %arg15[%dma_start3A_143] : memref<262144xf32, #tpu.memory_space<vmem_shared>> -> memref<262144xf32, #tpu.memory_space<vmem_shared>>
      tpu.enqueue_indirect_dma source(%dma_start3A_139 : memref<128xf32, #tpu.memory_space<vmem>>) target(%dma_start3A_144 : memref<262144xf32, #tpu.memory_space<vmem_shared>>) offsets(%dma_start3A_142 : memref<128xi32, #tpu.memory_space<vmem>>) semaphore(%arg17 : memref<!tpu.dma_semaphore, #tpu.memory_space<semaphore_mem>>) {add = true}
      %dma_start3A_145 = arith.constant 0 : i32
      %dma_start3A_146 = tpu.memref_slice %arg10[%add3A_136, %dma_start3A_145] : memref<128x128xf32, #tpu.memory_space<vmem>> -> memref<1x128xf32, #tpu.memory_space<vmem>>
      %dma_start3A_147 = tpu.memref_squeeze %dma_start3A_146 : memref<1x128xf32, #tpu.memory_space<vmem>> -> memref<128xf32, #tpu.memory_space<vmem>>
      %dma_start3A_148 = arith.constant 0 : i32
      %dma_start3A_149 = tpu.memref_slice %arg8[%add3A_136, %dma_start3A_148] : memref<128x128xi32, #tpu.memory_space<vmem>> -> memref<1x128xi32, #tpu.memory_space<vmem>>
      %dma_start3A_150 = tpu.memref_squeeze %dma_start3A_149 : memref<1x128xi32, #tpu.memory_space<vmem>> -> memref<128xi32, #tpu.memory_space<vmem>>
      %dma_start3A_151 = arith.constant 0 : i32
      %dma_start3A_152 = tpu.memref_slice %arg16[%dma_start3A_151] : memref<262144xf32, #tpu.memory_space<vmem_shared>> -> memref<262144xf32, #tpu.memory_space<vmem_shared>>
      tpu.enqueue_indirect_dma source(%dma_start3A_147 : memref<128xf32, #tpu.memory_space<vmem>>) target(%dma_start3A_152 : memref<262144xf32, #tpu.memory_space<vmem_shared>>) offsets(%dma_start3A_150 : memref<128xi32, #tpu.memory_space<vmem>>) semaphore(%arg17 : memref<!tpu.dma_semaphore, #tpu.memory_space<semaphore_mem>>) {add = true}
      %dma_wait3A = arith.constant 0 : i32
      %dma_wait3A_153 = tpu.memref_slice %arg9[%add3A_77, %dma_wait3A] : memref<128x128xf32, #tpu.memory_space<vmem>> -> memref<1x128xf32, #tpu.memory_space<vmem>>
      %dma_wait3A_154 = tpu.memref_squeeze %dma_wait3A_153 : memref<1x128xf32, #tpu.memory_space<vmem>> -> memref<128xf32, #tpu.memory_space<vmem>>
      %dma_wait3A_155 = arith.constant 0 : i32
      %dma_wait3A_156 = tpu.memref_slice %arg8[%add3A_77, %dma_wait3A_155] : memref<128x128xi32, #tpu.memory_space<vmem>> -> memref<1x128xi32, #tpu.memory_space<vmem>>
      %dma_wait3A_157 = tpu.memref_squeeze %dma_wait3A_156 : memref<1x128xi32, #tpu.memory_space<vmem>> -> memref<128xi32, #tpu.memory_space<vmem>>
      %dma_wait3A_158 = arith.constant 0 : i32
      %dma_wait3A_159 = tpu.memref_slice %arg15[%dma_wait3A_158] : memref<262144xf32, #tpu.memory_space<vmem_shared>> -> memref<262144xf32, #tpu.memory_space<vmem_shared>>
      tpu.wait_indirect_dma semaphore(%arg17 : memref<!tpu.dma_semaphore, #tpu.memory_space<semaphore_mem>>) src(%dma_wait3A_154 : memref<128xf32, #tpu.memory_space<vmem>>) dst(%dma_wait3A_159 : memref<262144xf32, #tpu.memory_space<vmem_shared>>)
      %dma_wait3A_160 = arith.constant 0 : i32
      %dma_wait3A_161 = tpu.memref_slice %arg10[%add3A_77, %dma_wait3A_160] : memref<128x128xf32, #tpu.memory_space<vmem>> -> memref<1x128xf32, #tpu.memory_space<vmem>>
      %dma_wait3A_162 = tpu.memref_squeeze %dma_wait3A_161 : memref<1x128xf32, #tpu.memory_space<vmem>> -> memref<128xf32, #tpu.memory_space<vmem>>
      %dma_wait3A_163 = arith.constant 0 : i32
      %dma_wait3A_164 = tpu.memref_slice %arg8[%add3A_77, %dma_wait3A_163] : memref<128x128xi32, #tpu.memory_space<vmem>> -> memref<1x128xi32, #tpu.memory_space<vmem>>
      %dma_wait3A_165 = tpu.memref_squeeze %dma_wait3A_164 : memref<1x128xi32, #tpu.memory_space<vmem>> -> memref<128xi32, #tpu.memory_space<vmem>>
      %dma_wait3A_166 = arith.constant 0 : i32
      %dma_wait3A_167 = tpu.memref_slice %arg16[%dma_wait3A_166] : memref<262144xf32, #tpu.memory_space<vmem_shared>> -> memref<262144xf32, #tpu.memory_space<vmem_shared>>
      tpu.wait_indirect_dma semaphore(%arg17 : memref<!tpu.dma_semaphore, #tpu.memory_space<semaphore_mem>>) src(%dma_wait3A_162 : memref<128xf32, #tpu.memory_space<vmem>>) dst(%dma_wait3A_167 : memref<262144xf32, #tpu.memory_space<vmem_shared>>)
      %dma_wait3A_168 = arith.constant 0 : i32
      %dma_wait3A_169 = tpu.memref_slice %arg9[%add3A_96, %dma_wait3A_168] : memref<128x128xf32, #tpu.memory_space<vmem>> -> memref<1x128xf32, #tpu.memory_space<vmem>>
      %dma_wait3A_170 = tpu.memref_squeeze %dma_wait3A_169 : memref<1x128xf32, #tpu.memory_space<vmem>> -> memref<128xf32, #tpu.memory_space<vmem>>
      %dma_wait3A_171 = arith.constant 0 : i32
      %dma_wait3A_172 = tpu.memref_slice %arg8[%add3A_96, %dma_wait3A_171] : memref<128x128xi32, #tpu.memory_space<vmem>> -> memref<1x128xi32, #tpu.memory_space<vmem>>
      %dma_wait3A_173 = tpu.memref_squeeze %dma_wait3A_172 : memref<1x128xi32, #tpu.memory_space<vmem>> -> memref<128xi32, #tpu.memory_space<vmem>>
      %dma_wait3A_174 = arith.constant 0 : i32
      %dma_wait3A_175 = tpu.memref_slice %arg15[%dma_wait3A_174] : memref<262144xf32, #tpu.memory_space<vmem_shared>> -> memref<262144xf32, #tpu.memory_space<vmem_shared>>
      tpu.wait_indirect_dma semaphore(%arg17 : memref<!tpu.dma_semaphore, #tpu.memory_space<semaphore_mem>>) src(%dma_wait3A_170 : memref<128xf32, #tpu.memory_space<vmem>>) dst(%dma_wait3A_175 : memref<262144xf32, #tpu.memory_space<vmem_shared>>)
      %dma_wait3A_176 = arith.constant 0 : i32
      %dma_wait3A_177 = tpu.memref_slice %arg10[%add3A_96, %dma_wait3A_176] : memref<128x128xf32, #tpu.memory_space<vmem>> -> memref<1x128xf32, #tpu.memory_space<vmem>>
      %dma_wait3A_178 = tpu.memref_squeeze %dma_wait3A_177 : memref<1x128xf32, #tpu.memory_space<vmem>> -> memref<128xf32, #tpu.memory_space<vmem>>
      %dma_wait3A_179 = arith.constant 0 : i32
      %dma_wait3A_180 = tpu.memref_slice %arg8[%add3A_96, %dma_wait3A_179] : memref<128x128xi32, #tpu.memory_space<vmem>> -> memref<1x128xi32, #tpu.memory_space<vmem>>
      %dma_wait3A_181 = tpu.memref_squeeze %dma_wait3A_180 : memref<1x128xi32, #tpu.memory_space<vmem>> -> memref<128xi32, #tpu.memory_space<vmem>>
      %dma_wait3A_182 = arith.constant 0 : i32
      %dma_wait3A_183 = tpu.memref_slice %arg16[%dma_wait3A_182] : memref<262144xf32, #tpu.memory_space<vmem_shared>> -> memref<262144xf32, #tpu.memory_space<vmem_shared>>
      tpu.wait_indirect_dma semaphore(%arg17 : memref<!tpu.dma_semaphore, #tpu.memory_space<semaphore_mem>>) src(%dma_wait3A_178 : memref<128xf32, #tpu.memory_space<vmem>>) dst(%dma_wait3A_183 : memref<262144xf32, #tpu.memory_space<vmem_shared>>)
      %dma_wait3A_184 = arith.constant 0 : i32
      %dma_wait3A_185 = tpu.memref_slice %arg9[%add3A_116, %dma_wait3A_184] : memref<128x128xf32, #tpu.memory_space<vmem>> -> memref<1x128xf32, #tpu.memory_space<vmem>>
      %dma_wait3A_186 = tpu.memref_squeeze %dma_wait3A_185 : memref<1x128xf32, #tpu.memory_space<vmem>> -> memref<128xf32, #tpu.memory_space<vmem>>
      %dma_wait3A_187 = arith.constant 0 : i32
      %dma_wait3A_188 = tpu.memref_slice %arg8[%add3A_116, %dma_wait3A_187] : memref<128x128xi32, #tpu.memory_space<vmem>> -> memref<1x128xi32, #tpu.memory_space<vmem>>
      %dma_wait3A_189 = tpu.memref_squeeze %dma_wait3A_188 : memref<1x128xi32, #tpu.memory_space<vmem>> -> memref<128xi32, #tpu.memory_space<vmem>>
      %dma_wait3A_190 = arith.constant 0 : i32
      %dma_wait3A_191 = tpu.memref_slice %arg15[%dma_wait3A_190] : memref<262144xf32, #tpu.memory_space<vmem_shared>> -> memref<262144xf32, #tpu.memory_space<vmem_shared>>
      tpu.wait_indirect_dma semaphore(%arg17 : memref<!tpu.dma_semaphore, #tpu.memory_space<semaphore_mem>>) src(%dma_wait3A_186 : memref<128xf32, #tpu.memory_space<vmem>>) dst(%dma_wait3A_191 : memref<262144xf32, #tpu.memory_space<vmem_shared>>)
      %dma_wait3A_192 = arith.constant 0 : i32
      %dma_wait3A_193 = tpu.memref_slice %arg10[%add3A_116, %dma_wait3A_192] : memref<128x128xf32, #tpu.memory_space<vmem>> -> memref<1x128xf32, #tpu.memory_space<vmem>>
      %dma_wait3A_194 = tpu.memref_squeeze %dma_wait3A_193 : memref<1x128xf32, #tpu.memory_space<vmem>> -> memref<128xf32, #tpu.memory_space<vmem>>
      %dma_wait3A_195 = arith.constant 0 : i32
      %dma_wait3A_196 = tpu.memref_slice %arg8[%add3A_116, %dma_wait3A_195] : memref<128x128xi32, #tpu.memory_space<vmem>> -> memref<1x128xi32, #tpu.memory_space<vmem>>
      %dma_wait3A_197 = tpu.memref_squeeze %dma_wait3A_196 : memref<1x128xi32, #tpu.memory_space<vmem>> -> memref<128xi32, #tpu.memory_space<vmem>>
      %dma_wait3A_198 = arith.constant 0 : i32
      %dma_wait3A_199 = tpu.memref_slice %arg16[%dma_wait3A_198] : memref<262144xf32, #tpu.memory_space<vmem_shared>> -> memref<262144xf32, #tpu.memory_space<vmem_shared>>
      tpu.wait_indirect_dma semaphore(%arg17 : memref<!tpu.dma_semaphore, #tpu.memory_space<semaphore_mem>>) src(%dma_wait3A_194 : memref<128xf32, #tpu.memory_space<vmem>>) dst(%dma_wait3A_199 : memref<262144xf32, #tpu.memory_space<vmem_shared>>)
      %dma_wait3A_200 = arith.constant 0 : i32
      %dma_wait3A_201 = tpu.memref_slice %arg9[%add3A_136, %dma_wait3A_200] : memref<128x128xf32, #tpu.memory_space<vmem>> -> memref<1x128xf32, #tpu.memory_space<vmem>>
      %dma_wait3A_202 = tpu.memref_squeeze %dma_wait3A_201 : memref<1x128xf32, #tpu.memory_space<vmem>> -> memref<128xf32, #tpu.memory_space<vmem>>
      %dma_wait3A_203 = arith.constant 0 : i32
      %dma_wait3A_204 = tpu.memref_slice %arg8[%add3A_136, %dma_wait3A_203] : memref<128x128xi32, #tpu.memory_space<vmem>> -> memref<1x128xi32, #tpu.memory_space<vmem>>
      %dma_wait3A_205 = tpu.memref_squeeze %dma_wait3A_204 : memref<1x128xi32, #tpu.memory_space<vmem>> -> memref<128xi32, #tpu.memory_space<vmem>>
      %dma_wait3A_206 = arith.constant 0 : i32
      %dma_wait3A_207 = tpu.memref_slice %arg15[%dma_wait3A_206] : memref<262144xf32, #tpu.memory_space<vmem_shared>> -> memref<262144xf32, #tpu.memory_space<vmem_shared>>
      tpu.wait_indirect_dma semaphore(%arg17 : memref<!tpu.dma_semaphore, #tpu.memory_space<semaphore_mem>>) src(%dma_wait3A_202 : memref<128xf32, #tpu.memory_space<vmem>>) dst(%dma_wait3A_207 : memref<262144xf32, #tpu.memory_space<vmem_shared>>)
      %dma_wait3A_208 = arith.constant 0 : i32
      %dma_wait3A_209 = tpu.memref_slice %arg10[%add3A_136, %dma_wait3A_208] : memref<128x128xf32, #tpu.memory_space<vmem>> -> memref<1x128xf32, #tpu.memory_space<vmem>>
      %dma_wait3A_210 = tpu.memref_squeeze %dma_wait3A_209 : memref<1x128xf32, #tpu.memory_space<vmem>> -> memref<128xf32, #tpu.memory_space<vmem>>
      %dma_wait3A_211 = arith.constant 0 : i32
      %dma_wait3A_212 = tpu.memref_slice %arg8[%add3A_136, %dma_wait3A_211] : memref<128x128xi32, #tpu.memory_space<vmem>> -> memref<1x128xi32, #tpu.memory_space<vmem>>
      %dma_wait3A_213 = tpu.memref_squeeze %dma_wait3A_212 : memref<1x128xi32, #tpu.memory_space<vmem>> -> memref<128xi32, #tpu.memory_space<vmem>>
      %dma_wait3A_214 = arith.constant 0 : i32
      %dma_wait3A_215 = tpu.memref_slice %arg16[%dma_wait3A_214] : memref<262144xf32, #tpu.memory_space<vmem_shared>> -> memref<262144xf32, #tpu.memory_space<vmem_shared>>
      tpu.wait_indirect_dma semaphore(%arg17 : memref<!tpu.dma_semaphore, #tpu.memory_space<semaphore_mem>>) src(%dma_wait3A_210 : memref<128xf32, #tpu.memory_space<vmem>>) dst(%dma_wait3A_215 : memref<262144xf32, #tpu.memory_space<vmem_shared>>)
      %scan3A_216 = arith.constant 0 : i32
      scf.yield %scan3A_216 : i32
    }
    %scan3A_17 = arith.constant 32 : i32
    %barrier3A_18 = arith.constant 0 : index
    tpu.barrier barrier_id(%barrier3A_18)
    %broadcast_in_dim3A = arith.constant 0.000000e+00 : f32
    %broadcast_in_dim3A_19 = vector.broadcast %broadcast_in_dim3A : f32 to vector<16xf32>
    %broadcast_in_dim3A_20 = arith.constant 0.000000e+00 : f32
    %broadcast_in_dim3A_21 = vector.broadcast %broadcast_in_dim3A_20 : f32 to vector<16xf32>
    %mul3A_22 = arith.constant 16384 : i32
    %mul3A_23 = arith.muli %arg1, %mul3A_22 : i32
    %add3A_24 = arith.constant 0 : i32
    %add3A_25 = arith.addi %mul3A_23, %add3A_24 : i32
    "tpu.region"() ({
      %run_scoped3A = tpu.sem_alloc : memref<!tpu.dma_semaphore, #tpu.memory_space<semaphore_mem>>
      %dma_start3A = tpu.memref_slice %arg15[%add3A_25] : memref<262144xf32, #tpu.memory_space<vmem_shared>> -> memref<8192xf32, #tpu.memory_space<vmem_shared>>
      %dma_start3A_72 = tpu.memref_slice %arg15[%add3A_25] : memref<262144xf32, #tpu.memory_space<vmem_shared>> -> memref<8192xf32, #tpu.memory_space<vmem_shared>>
      tpu.enqueue_dma source(%dma_start3A_72 : memref<8192xf32, #tpu.memory_space<vmem_shared>>) target(%arg11 : memref<8192xf32, #tpu.memory_space<vmem>>) target_semaphore(%run_scoped3A : memref<!tpu.dma_semaphore, #tpu.memory_space<semaphore_mem>>)
      %dma_wait3A = tpu.memref_slice %arg15[%add3A_25] : memref<262144xf32, #tpu.memory_space<vmem_shared>> -> memref<8192xf32, #tpu.memory_space<vmem_shared>>
      %dma_wait3A_73 = tpu.memref_slice %arg15[%add3A_25] : memref<262144xf32, #tpu.memory_space<vmem_shared>> -> memref<8192xf32, #tpu.memory_space<vmem_shared>>
      tpu.wait_dma2 semaphore(%run_scoped3A : memref<!tpu.dma_semaphore, #tpu.memory_space<semaphore_mem>>) src(%dma_wait3A_73 : memref<8192xf32, #tpu.memory_space<vmem_shared>>) dst(%arg11 : memref<8192xf32, #tpu.memory_space<vmem>>)
      tpu.yield
    }) : () -> ()
    %mul3A_26 = arith.constant 16384 : i32
    %mul3A_27 = arith.muli %arg1, %mul3A_26 : i32
    %add3A_28 = arith.constant 0 : i32
    %add3A_29 = arith.addi %mul3A_27, %add3A_28 : i32
    "tpu.region"() ({
      %run_scoped3A = tpu.sem_alloc : memref<!tpu.dma_semaphore, #tpu.memory_space<semaphore_mem>>
      %dma_start3A = tpu.memref_slice %arg16[%add3A_29] : memref<262144xf32, #tpu.memory_space<vmem_shared>> -> memref<8192xf32, #tpu.memory_space<vmem_shared>>
      %dma_start3A_72 = tpu.memref_slice %arg16[%add3A_29] : memref<262144xf32, #tpu.memory_space<vmem_shared>> -> memref<8192xf32, #tpu.memory_space<vmem_shared>>
      tpu.enqueue_dma source(%dma_start3A_72 : memref<8192xf32, #tpu.memory_space<vmem_shared>>) target(%arg12 : memref<8192xf32, #tpu.memory_space<vmem>>) target_semaphore(%run_scoped3A : memref<!tpu.dma_semaphore, #tpu.memory_space<semaphore_mem>>)
      %dma_wait3A = tpu.memref_slice %arg16[%add3A_29] : memref<262144xf32, #tpu.memory_space<vmem_shared>> -> memref<8192xf32, #tpu.memory_space<vmem_shared>>
      %dma_wait3A_73 = tpu.memref_slice %arg16[%add3A_29] : memref<262144xf32, #tpu.memory_space<vmem_shared>> -> memref<8192xf32, #tpu.memory_space<vmem_shared>>
      tpu.wait_dma2 semaphore(%run_scoped3A : memref<!tpu.dma_semaphore, #tpu.memory_space<semaphore_mem>>) src(%dma_wait3A_73 : memref<8192xf32, #tpu.memory_space<vmem_shared>>) dst(%arg12 : memref<8192xf32, #tpu.memory_space<vmem>>)
      tpu.yield
    }) : () -> ()
    %mul3A_30 = arith.constant 16384 : i32
    %mul3A_31 = arith.muli %arg1, %mul3A_30 : i32
    %add3A_32 = arith.constant 0 : i32
    %add3A_33 = arith.addi %mul3A_31, %add3A_32 : i32
    "tpu.region"() ({
      %run_scoped3A = tpu.sem_alloc : memref<!tpu.dma_semaphore, #tpu.memory_space<semaphore_mem>>
      %dma_start3A = tpu.memref_slice %arg5[%add3A_1, %add3A_33] : memref<2x262144xf32, #tpu.memory_space<hbm>> -> memref<1x8192xf32, #tpu.memory_space<hbm>>
      %dma_start3A_72 = tpu.memref_squeeze %dma_start3A : memref<1x8192xf32, #tpu.memory_space<hbm>> -> memref<8192xf32, #tpu.memory_space<hbm>>
      %dma_start3A_73 = tpu.memref_slice %arg5[%add3A_1, %add3A_33] : memref<2x262144xf32, #tpu.memory_space<hbm>> -> memref<1x8192xf32, #tpu.memory_space<hbm>>
      %dma_start3A_74 = tpu.memref_squeeze %dma_start3A_73 : memref<1x8192xf32, #tpu.memory_space<hbm>> -> memref<8192xf32, #tpu.memory_space<hbm>>
      tpu.enqueue_dma source(%dma_start3A_74 : memref<8192xf32, #tpu.memory_space<hbm>>) target(%arg13 : memref<8192xf32, #tpu.memory_space<vmem>>) target_semaphore(%run_scoped3A : memref<!tpu.dma_semaphore, #tpu.memory_space<semaphore_mem>>)
      %dma_wait3A = tpu.memref_slice %arg5[%add3A_1, %add3A_33] : memref<2x262144xf32, #tpu.memory_space<hbm>> -> memref<1x8192xf32, #tpu.memory_space<hbm>>
      %dma_wait3A_75 = tpu.memref_squeeze %dma_wait3A : memref<1x8192xf32, #tpu.memory_space<hbm>> -> memref<8192xf32, #tpu.memory_space<hbm>>
      %dma_wait3A_76 = tpu.memref_slice %arg5[%add3A_1, %add3A_33] : memref<2x262144xf32, #tpu.memory_space<hbm>> -> memref<1x8192xf32, #tpu.memory_space<hbm>>
      %dma_wait3A_77 = tpu.memref_squeeze %dma_wait3A_76 : memref<1x8192xf32, #tpu.memory_space<hbm>> -> memref<8192xf32, #tpu.memory_space<hbm>>
      tpu.wait_dma2 semaphore(%run_scoped3A : memref<!tpu.dma_semaphore, #tpu.memory_space<semaphore_mem>>) src(%dma_wait3A_77 : memref<8192xf32, #tpu.memory_space<hbm>>) dst(%arg13 : memref<8192xf32, #tpu.memory_space<vmem>>)
      tpu.yield
    }) : () -> ()
    %scan3A_34 = arith.constant 0.000000e+00 : f32
    %scan3A_35 = arith.constant 0 : i32
    %scan3A_36 = arith.constant 512 : i32
    %scan3A_37 = arith.addi %scan3A_35, %scan3A_36 : i32
    %scan3A_38 = arith.constant 1 : i32
    %scan3A_39:2 = scf.for %scan3A_72 = %scan3A_35 to %scan3A_37 step %scan3A_38 iter_args(%scan3A_73 = %broadcast_in_dim3A_19, %scan3A_74 = %broadcast_in_dim3A_21) -> (vector<16xf32>, vector<16xf32>)  : i32 {
      %mul3A_75 = arith.constant 16 : i32
      %mul3A_76 = arith.muli %scan3A_72, %mul3A_75 : i32
      %get3A = arith.index_cast %mul3A_76 : i32 to index
      %get3A_77 = tpu.vector_load %arg11[%get3A] {strides = array<i32>} : memref<8192xf32, #tpu.memory_space<vmem>>, vector<16xf32>,
      %get3A_78 = vector.shape_cast %get3A_77 : vector<16xf32> to vector<16xf32>
      %mul3A_79 = arith.constant 16 : i32
      %mul3A_80 = arith.muli %scan3A_72, %mul3A_79 : i32
      %get3A_81 = arith.index_cast %mul3A_80 : i32 to index
      %get3A_82 = tpu.vector_load %arg12[%get3A_81] {strides = array<i32>} : memref<8192xf32, #tpu.memory_space<vmem>>, vector<16xf32>,
      %get3A_83 = vector.shape_cast %get3A_82 : vector<16xf32> to vector<16xf32>
      %mul3A_84 = arith.constant 16 : i32
      %mul3A_85 = arith.muli %scan3A_72, %mul3A_84 : i32
      %get3A_86 = arith.index_cast %mul3A_85 : i32 to index
      %get3A_87 = tpu.vector_load %arg13[%get3A_86] {strides = array<i32>} : memref<8192xf32, #tpu.memory_space<vmem>>, vector<16xf32>,
      %get3A_88 = vector.shape_cast %get3A_87 : vector<16xf32> to vector<16xf32>
      %add3A_89 = arith.constant 9.99999997E-7 : f32
      %add3A_90 = vector.broadcast %add3A_89 : f32 to vector<16xf32>
      %add3A_91 = arith.addf %get3A_78, %add3A_90 : vector<16xf32>
      %add3A_92 = arith.constant 9.99999997E-7 : f32
      %add3A_93 = vector.broadcast %add3A_92 : f32 to vector<16xf32>
      %add3A_94 = arith.addf %get3A_83, %add3A_93 : vector<16xf32>
      %div3A = arith.divf %add3A_91, %add3A_94 : vector<16xf32>
      %gt3A = arith.constant 0.000000e+00 : f32
      %gt3A_95 = vector.broadcast %gt3A : f32 to vector<16xf32>
      %gt3A_96 = arith.cmpf ogt, %get3A_88, %gt3A_95 : vector<16xf32>
      %broadcast_in_dim3A_97 = vector.broadcast %scan3A_34 : f32 to vector<16xf32>
      %select_n3A = arith.select %gt3A_96, %div3A, %broadcast_in_dim3A_97 : vector<16xi1>, vector<16xf32>
      %add3A_98 = arith.addf %scan3A_73, %select_n3A : vector<16xf32>
      %add3A_99 = arith.addf %scan3A_74, %get3A_88 : vector<16xf32>
      scf.yield %add3A_98, %add3A_99 : vector<16xf32>, vector<16xf32>
    }
    %scan3A_40 = arith.constant 512 : i32
    %mul3A_41 = arith.constant 16384 : i32
    %mul3A_42 = arith.muli %arg1, %mul3A_41 : i32
    %add3A_43 = arith.constant 8192 : i32
    %add3A_44 = arith.addi %mul3A_42, %add3A_43 : i32
    "tpu.region"() ({
      %run_scoped3A = tpu.sem_alloc : memref<!tpu.dma_semaphore, #tpu.memory_space<semaphore_mem>>
      %dma_start3A = tpu.memref_slice %arg15[%add3A_44] : memref<262144xf32, #tpu.memory_space<vmem_shared>> -> memref<8192xf32, #tpu.memory_space<vmem_shared>>
      %dma_start3A_72 = tpu.memref_slice %arg15[%add3A_44] : memref<262144xf32, #tpu.memory_space<vmem_shared>> -> memref<8192xf32, #tpu.memory_space<vmem_shared>>
      tpu.enqueue_dma source(%dma_start3A_72 : memref<8192xf32, #tpu.memory_space<vmem_shared>>) target(%arg11 : memref<8192xf32, #tpu.memory_space<vmem>>) target_semaphore(%run_scoped3A : memref<!tpu.dma_semaphore, #tpu.memory_space<semaphore_mem>>)
      %dma_wait3A = tpu.memref_slice %arg15[%add3A_44] : memref<262144xf32, #tpu.memory_space<vmem_shared>> -> memref<8192xf32, #tpu.memory_space<vmem_shared>>
      %dma_wait3A_73 = tpu.memref_slice %arg15[%add3A_44] : memref<262144xf32, #tpu.memory_space<vmem_shared>> -> memref<8192xf32, #tpu.memory_space<vmem_shared>>
      tpu.wait_dma2 semaphore(%run_scoped3A : memref<!tpu.dma_semaphore, #tpu.memory_space<semaphore_mem>>) src(%dma_wait3A_73 : memref<8192xf32, #tpu.memory_space<vmem_shared>>) dst(%arg11 : memref<8192xf32, #tpu.memory_space<vmem>>)
      tpu.yield
    }) : () -> ()
    %mul3A_45 = arith.constant 16384 : i32
    %mul3A_46 = arith.muli %arg1, %mul3A_45 : i32
    %add3A_47 = arith.constant 8192 : i32
    %add3A_48 = arith.addi %mul3A_46, %add3A_47 : i32
    "tpu.region"() ({
      %run_scoped3A = tpu.sem_alloc : memref<!tpu.dma_semaphore, #tpu.memory_space<semaphore_mem>>
      %dma_start3A = tpu.memref_slice %arg16[%add3A_48] : memref<262144xf32, #tpu.memory_space<vmem_shared>> -> memref<8192xf32, #tpu.memory_space<vmem_shared>>
      %dma_start3A_72 = tpu.memref_slice %arg16[%add3A_48] : memref<262144xf32, #tpu.memory_space<vmem_shared>> -> memref<8192xf32, #tpu.memory_space<vmem_shared>>
      tpu.enqueue_dma source(%dma_start3A_72 : memref<8192xf32, #tpu.memory_space<vmem_shared>>) target(%arg12 : memref<8192xf32, #tpu.memory_space<vmem>>) target_semaphore(%run_scoped3A : memref<!tpu.dma_semaphore, #tpu.memory_space<semaphore_mem>>)
      %dma_wait3A = tpu.memref_slice %arg16[%add3A_48] : memref<262144xf32, #tpu.memory_space<vmem_shared>> -> memref<8192xf32, #tpu.memory_space<vmem_shared>>
      %dma_wait3A_73 = tpu.memref_slice %arg16[%add3A_48] : memref<262144xf32, #tpu.memory_space<vmem_shared>> -> memref<8192xf32, #tpu.memory_space<vmem_shared>>
      tpu.wait_dma2 semaphore(%run_scoped3A : memref<!tpu.dma_semaphore, #tpu.memory_space<semaphore_mem>>) src(%dma_wait3A_73 : memref<8192xf32, #tpu.memory_space<vmem_shared>>) dst(%arg12 : memref<8192xf32, #tpu.memory_space<vmem>>)
      tpu.yield
    }) : () -> ()
    %mul3A_49 = arith.constant 16384 : i32
    %mul3A_50 = arith.muli %arg1, %mul3A_49 : i32
    %add3A_51 = arith.constant 8192 : i32
    %add3A_52 = arith.addi %mul3A_50, %add3A_51 : i32
    "tpu.region"() ({
      %run_scoped3A = tpu.sem_alloc : memref<!tpu.dma_semaphore, #tpu.memory_space<semaphore_mem>>
      %dma_start3A = tpu.memref_slice %arg5[%add3A_1, %add3A_52] : memref<2x262144xf32, #tpu.memory_space<hbm>> -> memref<1x8192xf32, #tpu.memory_space<hbm>>
      %dma_start3A_72 = tpu.memref_squeeze %dma_start3A : memref<1x8192xf32, #tpu.memory_space<hbm>> -> memref<8192xf32, #tpu.memory_space<hbm>>
      %dma_start3A_73 = tpu.memref_slice %arg5[%add3A_1, %add3A_52] : memref<2x262144xf32, #tpu.memory_space<hbm>> -> memref<1x8192xf32, #tpu.memory_space<hbm>>
      %dma_start3A_74 = tpu.memref_squeeze %dma_start3A_73 : memref<1x8192xf32, #tpu.memory_space<hbm>> -> memref<8192xf32, #tpu.memory_space<hbm>>
      tpu.enqueue_dma source(%dma_start3A_74 : memref<8192xf32, #tpu.memory_space<hbm>>) target(%arg13 : memref<8192xf32, #tpu.memory_space<vmem>>) target_semaphore(%run_scoped3A : memref<!tpu.dma_semaphore, #tpu.memory_space<semaphore_mem>>)
      %dma_wait3A = tpu.memref_slice %arg5[%add3A_1, %add3A_52] : memref<2x262144xf32, #tpu.memory_space<hbm>> -> memref<1x8192xf32, #tpu.memory_space<hbm>>
      %dma_wait3A_75 = tpu.memref_squeeze %dma_wait3A : memref<1x8192xf32, #tpu.memory_space<hbm>> -> memref<8192xf32, #tpu.memory_space<hbm>>
      %dma_wait3A_76 = tpu.memref_slice %arg5[%add3A_1, %add3A_52] : memref<2x262144xf32, #tpu.memory_space<hbm>> -> memref<1x8192xf32, #tpu.memory_space<hbm>>
      %dma_wait3A_77 = tpu.memref_squeeze %dma_wait3A_76 : memref<1x8192xf32, #tpu.memory_space<hbm>> -> memref<8192xf32, #tpu.memory_space<hbm>>
      tpu.wait_dma2 semaphore(%run_scoped3A : memref<!tpu.dma_semaphore, #tpu.memory_space<semaphore_mem>>) src(%dma_wait3A_77 : memref<8192xf32, #tpu.memory_space<hbm>>) dst(%arg13 : memref<8192xf32, #tpu.memory_space<vmem>>)
      tpu.yield
    }) : () -> ()
    %scan3A_53 = arith.constant 0.000000e+00 : f32
    %scan3A_54 = arith.constant 0 : i32
    %scan3A_55 = arith.constant 512 : i32
    %scan3A_56 = arith.addi %scan3A_54, %scan3A_55 : i32
    %scan3A_57 = arith.constant 1 : i32
    %scan3A_58:2 = scf.for %scan3A_72 = %scan3A_54 to %scan3A_56 step %scan3A_57 iter_args(%scan3A_73 = %scan3A_39#0, %scan3A_74 = %scan3A_39#1) -> (vector<16xf32>, vector<16xf32>)  : i32 {
      %mul3A_75 = arith.constant 16 : i32
      %mul3A_76 = arith.muli %scan3A_72, %mul3A_75 : i32
      %get3A = arith.index_cast %mul3A_76 : i32 to index
      %get3A_77 = tpu.vector_load %arg11[%get3A] {strides = array<i32>} : memref<8192xf32, #tpu.memory_space<vmem>>, vector<16xf32>,
      %get3A_78 = vector.shape_cast %get3A_77 : vector<16xf32> to vector<16xf32>
      %mul3A_79 = arith.constant 16 : i32
      %mul3A_80 = arith.muli %scan3A_72, %mul3A_79 : i32
      %get3A_81 = arith.index_cast %mul3A_80 : i32 to index
      %get3A_82 = tpu.vector_load %arg12[%get3A_81] {strides = array<i32>} : memref<8192xf32, #tpu.memory_space<vmem>>, vector<16xf32>,
      %get3A_83 = vector.shape_cast %get3A_82 : vector<16xf32> to vector<16xf32>
      %mul3A_84 = arith.constant 16 : i32
      %mul3A_85 = arith.muli %scan3A_72, %mul3A_84 : i32
      %get3A_86 = arith.index_cast %mul3A_85 : i32 to index
      %get3A_87 = tpu.vector_load %arg13[%get3A_86] {strides = array<i32>} : memref<8192xf32, #tpu.memory_space<vmem>>, vector<16xf32>,
      %get3A_88 = vector.shape_cast %get3A_87 : vector<16xf32> to vector<16xf32>
      %add3A_89 = arith.constant 9.99999997E-7 : f32
      %add3A_90 = vector.broadcast %add3A_89 : f32 to vector<16xf32>
      %add3A_91 = arith.addf %get3A_78, %add3A_90 : vector<16xf32>
      %add3A_92 = arith.constant 9.99999997E-7 : f32
      %add3A_93 = vector.broadcast %add3A_92 : f32 to vector<16xf32>
      %add3A_94 = arith.addf %get3A_83, %add3A_93 : vector<16xf32>
      %div3A = arith.divf %add3A_91, %add3A_94 : vector<16xf32>
      %gt3A = arith.constant 0.000000e+00 : f32
      %gt3A_95 = vector.broadcast %gt3A : f32 to vector<16xf32>
      %gt3A_96 = arith.cmpf ogt, %get3A_88, %gt3A_95 : vector<16xf32>
      %broadcast_in_dim3A_97 = vector.broadcast %scan3A_53 : f32 to vector<16xf32>
      %select_n3A = arith.select %gt3A_96, %div3A, %broadcast_in_dim3A_97 : vector<16xi1>, vector<16xf32>
      %add3A_98 = arith.addf %scan3A_73, %select_n3A : vector<16xf32>
      %add3A_99 = arith.addf %scan3A_74, %get3A_88 : vector<16xf32>
      scf.yield %add3A_98, %add3A_99 : vector<16xf32>, vector<16xf32>
    }
    %scan3A_59 = arith.constant 512 : i32
    %swap3A = arith.constant 0 : i32
    %swap3A_60 = arith.index_cast %swap3A : i32 to index
    %swap3A_61 = arith.constant 0 : index
    %swap3A_62 = tpu.vector_load %arg14[%swap3A_60, %swap3A_61] {strides = array<i32>} : memref<2x16xf32, #tpu.memory_space<vmem>>, vector<1x16xf32>,
    %swap3A_63 = vector.shape_cast %swap3A_62 : vector<1x16xf32> to vector<16xf32>
    %swap3A_64 = vector.shape_cast %scan3A_58#0 : vector<16xf32> to vector<1x16xf32>
    tpu.vector_store %arg14[%swap3A_60, %swap3A_61], %swap3A_64 {strides = array<i32>} : memref<2x16xf32, #tpu.memory_space<vmem>>, vector<1x16xf32>,
    %swap3A_65 = arith.constant 1 : i32
    %swap3A_66 = arith.index_cast %swap3A_65 : i32 to index
    %swap3A_67 = arith.constant 0 : index
    %swap3A_68 = tpu.vector_load %arg14[%swap3A_66, %swap3A_67] {strides = array<i32>} : memref<2x16xf32, #tpu.memory_space<vmem>>, vector<1x16xf32>,
    %swap3A_69 = vector.shape_cast %swap3A_68 : vector<1x16xf32> to vector<16xf32>
    %swap3A_70 = vector.shape_cast %scan3A_58#1 : vector<16xf32> to vector<1x16xf32>
    tpu.vector_store %arg14[%swap3A_66, %swap3A_67], %swap3A_70 {strides = array<i32>} : memref<2x16xf32, #tpu.memory_space<vmem>>, vector<1x16xf32>,
    "tpu.region"() ({
      %run_scoped3A = tpu.sem_alloc : memref<!tpu.dma_semaphore, #tpu.memory_space<semaphore_mem>>
      %dma_start3A = arith.constant 0 : i32
      %dma_start3A_72 = arith.constant 0 : i32
      %dma_start3A_73 = tpu.memref_slice %arg7[%add3A_1, %arg1, %dma_start3A, %dma_start3A_72] : memref<2x16x2x16xf32, #tpu.memory_space<hbm>> -> memref<1x1x2x16xf32, #tpu.memory_space<hbm>>
      %dma_start3A_74 = tpu.memref_squeeze %dma_start3A_73 : memref<1x1x2x16xf32, #tpu.memory_space<hbm>> -> memref<2x16xf32, #tpu.memory_space<hbm>>
      %dma_start3A_75 = arith.constant 0 : i32
      %dma_start3A_76 = arith.constant 0 : i32
      %dma_start3A_77 = tpu.memref_slice %arg7[%add3A_1, %arg1, %dma_start3A_75, %dma_start3A_76] : memref<2x16x2x16xf32, #tpu.memory_space<hbm>> -> memref<1x1x2x16xf32, #tpu.memory_space<hbm>>
      %dma_start3A_78 = tpu.memref_squeeze %dma_start3A_77 : memref<1x1x2x16xf32, #tpu.memory_space<hbm>> -> memref<2x16xf32, #tpu.memory_space<hbm>>
      tpu.enqueue_dma source(%arg14 : memref<2x16xf32, #tpu.memory_space<vmem>>) target(%dma_start3A_78 : memref<2x16xf32, #tpu.memory_space<hbm>>) target_semaphore(%run_scoped3A : memref<!tpu.dma_semaphore, #tpu.memory_space<semaphore_mem>>)
      %dma_wait3A = arith.constant 0 : i32
      %dma_wait3A_79 = arith.constant 0 : i32
      %dma_wait3A_80 = tpu.memref_slice %arg7[%add3A_1, %arg1, %dma_wait3A, %dma_wait3A_79] : memref<2x16x2x16xf32, #tpu.memory_space<hbm>> -> memref<1x1x2x16xf32, #tpu.memory_space<hbm>>
      %dma_wait3A_81 = tpu.memref_squeeze %dma_wait3A_80 : memref<1x1x2x16xf32, #tpu.memory_space<hbm>> -> memref<2x16xf32, #tpu.memory_space<hbm>>
      %dma_wait3A_82 = arith.constant 0 : i32
      %dma_wait3A_83 = arith.constant 0 : i32
      %dma_wait3A_84 = tpu.memref_slice %arg7[%add3A_1, %arg1, %dma_wait3A_82, %dma_wait3A_83] : memref<2x16x2x16xf32, #tpu.memory_space<hbm>> -> memref<1x1x2x16xf32, #tpu.memory_space<hbm>>
      %dma_wait3A_85 = tpu.memref_squeeze %dma_wait3A_84 : memref<1x1x2x16xf32, #tpu.memory_space<hbm>> -> memref<2x16xf32, #tpu.memory_space<hbm>>
      tpu.wait_dma2 semaphore(%run_scoped3A : memref<!tpu.dma_semaphore, #tpu.memory_space<semaphore_mem>>) src(%arg14 : memref<2x16xf32, #tpu.memory_space<vmem>>) dst(%dma_wait3A_85 : memref<2x16xf32, #tpu.memory_space<hbm>>)
      tpu.yield
    }) : () -> ()
    %barrier3A_71 = arith.constant 0 : index
    tpu.barrier barrier_id(%barrier3A_71)
    return
  }
}

module attributes {stable_mosaic.version = 14 : i64} {
  func.func @body(%arg0: i32, %arg1: memref<1x512x512xf32, #tpu.memory_space<vmem>>, %arg2: memref<1x512x512xf32, #tpu.memory_space<vmem>>, %arg3: memref<1x512x512xi32, #tpu.memory_space<vmem>>, %arg4: memref<1x512x512xf32, #tpu.memory_space<vmem>>, %arg5: memref<1x512x512xf32, #tpu.memory_space<vmem>>, %arg6: memref<1x512x512xf32, #tpu.memory_space<vmem>>) attributes {dimension_semantics = [#tpu.dimension_semantics<arbitrary>], iteration_bounds = array<i64: 2>, scalar_prefetch = 0 : i64, scratch_operands = 0 : i64, tpu.core_type = #tpu.core_type<tc>, window_params = [{transform_indices = @transform_0, window_bounds = array<i64: 1, 512, 512>}, {transform_indices = @transform_1, window_bounds = array<i64: 1, 512, 512>}, {transform_indices = @transform_2, window_bounds = array<i64: 1, 512, 512>}, {transform_indices = @transform_3, window_bounds = array<i64: 1, 512, 512>}, {transform_indices = @transform_4, window_bounds = array<i64: 1, 512, 512>}, {transform_indices = @transform_5, window_bounds = array<i64: 1, 512, 512>}]} {
    %get3A = arith.constant 0 : index
    %get3A_0 = arith.constant 0 : index
    %get3A_1 = arith.constant 0 : index
    %get3A_2 = vector.load %arg1[%get3A, %get3A_0, %get3A_1] : memref<1x512x512xf32, #tpu.memory_space<vmem>>, vector<1x512x512xf32>
    %get3A_3 = vector.shape_cast %get3A_2 : vector<1x512x512xf32> to vector<512x512xf32>
    %get3A_4 = arith.constant 0 : index
    %get3A_5 = arith.constant 0 : index
    %get3A_6 = arith.constant 0 : index
    %get3A_7 = vector.load %arg2[%get3A_4, %get3A_5, %get3A_6] : memref<1x512x512xf32, #tpu.memory_space<vmem>>, vector<1x512x512xf32>
    %get3A_8 = vector.shape_cast %get3A_7 : vector<1x512x512xf32> to vector<512x512xf32>
    %add3A = arith.addf %get3A_3, %get3A_8 : vector<512x512xf32>
    %gt3A = arith.constant 0.000000e+00 : f32
    %gt3A_9 = vector.broadcast %gt3A : f32 to vector<512x512xf32>
    %gt3A_10 = arith.cmpf ogt, %add3A, %gt3A_9 : vector<512x512xf32>
    %iota3A = tpu.iota {dimensions = array<i32: 0>} : vector<512x512xi32>
    %iota3A_11 = tpu.iota {dimensions = array<i32: 1>} : vector<512x512xi32>
    %mul3A = arith.constant 512 : i32
    %mul3A_12 = vector.broadcast %mul3A : i32 to vector<512x512xi32>
    %mul3A_13 = arith.muli %iota3A, %mul3A_12 : vector<512x512xi32>
    %add3A_14 = arith.addi %mul3A_13, %iota3A_11 : vector<512x512xi32>
    %jit3A = arith.constant 262144 : i32
    %broadcast_in_dim3A = vector.broadcast %jit3A : i32 to vector<512x512xi32>
    %select_n3A = arith.select %gt3A_10, %add3A_14, %broadcast_in_dim3A : vector<512x512xi1>, vector<512x512xi32>
    %jit3A_15 = arith.constant 1 : i32
    %jit3A_16 = arith.constant 0 : i32
    %broadcast_in_dim3A_17 = vector.broadcast %jit3A_15 : i32 to vector<512x512xi32>
    %broadcast_in_dim3A_18 = vector.broadcast %jit3A_16 : i32 to vector<512x512xi32>
    %select_n3A_19 = arith.select %gt3A_10, %broadcast_in_dim3A_17, %broadcast_in_dim3A_18 : vector<512x512xi1>, vector<512x512xi32>
    %broadcast_in_dim3A_20 = arith.constant 0 : i32
    %broadcast_in_dim3A_21 = vector.broadcast %broadcast_in_dim3A_20 : i32 to vector<1x512xi32>
    %slice3A = vector.extract_strided_slice %select_n3A_19 {offsets = [0, 0], sizes = [511, 512], strides = [1, 1]} : vector<512x512xi32> to vector<511x512xi32>
    %concatenate3A = tpu.concatenate %broadcast_in_dim3A_21, %slice3A in 0 : vector<1x512xi32>, vector<511x512xi32> -> vector<512x512xi32>
    %mul3A_22 = arith.muli %select_n3A_19, %concatenate3A : vector<512x512xi32>
    %slice3A_23 = vector.extract_strided_slice %select_n3A_19 {offsets = [1, 0], sizes = [511, 512], strides = [1, 1]} : vector<512x512xi32> to vector<511x512xi32>
    %broadcast_in_dim3A_24 = arith.constant 0 : i32
    %broadcast_in_dim3A_25 = vector.broadcast %broadcast_in_dim3A_24 : i32 to vector<1x512xi32>
    %concatenate3A_26 = tpu.concatenate %slice3A_23, %broadcast_in_dim3A_25 in 0 : vector<511x512xi32>, vector<1x512xi32> -> vector<512x512xi32>
    %mul3A_27 = arith.muli %select_n3A_19, %concatenate3A_26 : vector<512x512xi32>
    %broadcast_in_dim3A_28 = arith.constant 0 : i32
    %broadcast_in_dim3A_29 = vector.broadcast %broadcast_in_dim3A_28 : i32 to vector<512x1xi32>
    %slice3A_30 = vector.extract_strided_slice %select_n3A_19 {offsets = [0, 0], sizes = [512, 511], strides = [1, 1]} : vector<512x512xi32> to vector<512x511xi32>
    %concatenate3A_31 = tpu.concatenate %broadcast_in_dim3A_29, %slice3A_30 in 1 : vector<512x1xi32>, vector<512x511xi32> -> vector<512x512xi32>
    %mul3A_32 = arith.muli %select_n3A_19, %concatenate3A_31 : vector<512x512xi32>
    %slice3A_33 = vector.extract_strided_slice %select_n3A_19 {offsets = [0, 1], sizes = [512, 511], strides = [1, 1]} : vector<512x512xi32> to vector<512x511xi32>
    %broadcast_in_dim3A_34 = arith.constant 0 : i32
    %broadcast_in_dim3A_35 = vector.broadcast %broadcast_in_dim3A_34 : i32 to vector<512x1xi32>
    %concatenate3A_36 = tpu.concatenate %slice3A_33, %broadcast_in_dim3A_35 in 1 : vector<512x511xi32>, vector<512x1xi32> -> vector<512x512xi32>
    %mul3A_37 = arith.muli %select_n3A_19, %concatenate3A_36 : vector<512x512xi32>
    %broadcast_in_dim3A_38 = arith.constant 0 : i32
    %broadcast_in_dim3A_39 = vector.broadcast %broadcast_in_dim3A_38 : i32 to vector<1x512xi32>
    %slice3A_40 = vector.extract_strided_slice %mul3A_22 {offsets = [0, 0], sizes = [511, 512], strides = [1, 1]} : vector<512x512xi32> to vector<511x512xi32>
    %concatenate3A_41 = tpu.concatenate %broadcast_in_dim3A_39, %slice3A_40 in 0 : vector<1x512xi32>, vector<511x512xi32> -> vector<512x512xi32>
    %mul3A_42 = arith.muli %mul3A_22, %concatenate3A_41 : vector<512x512xi32>
    %slice3A_43 = vector.extract_strided_slice %mul3A_27 {offsets = [1, 0], sizes = [511, 512], strides = [1, 1]} : vector<512x512xi32> to vector<511x512xi32>
    %broadcast_in_dim3A_44 = arith.constant 0 : i32
    %broadcast_in_dim3A_45 = vector.broadcast %broadcast_in_dim3A_44 : i32 to vector<1x512xi32>
    %concatenate3A_46 = tpu.concatenate %slice3A_43, %broadcast_in_dim3A_45 in 0 : vector<511x512xi32>, vector<1x512xi32> -> vector<512x512xi32>
    %mul3A_47 = arith.muli %mul3A_27, %concatenate3A_46 : vector<512x512xi32>
    %broadcast_in_dim3A_48 = arith.constant 0 : i32
    %broadcast_in_dim3A_49 = vector.broadcast %broadcast_in_dim3A_48 : i32 to vector<512x1xi32>
    %slice3A_50 = vector.extract_strided_slice %mul3A_32 {offsets = [0, 0], sizes = [512, 511], strides = [1, 1]} : vector<512x512xi32> to vector<512x511xi32>
    %concatenate3A_51 = tpu.concatenate %broadcast_in_dim3A_49, %slice3A_50 in 1 : vector<512x1xi32>, vector<512x511xi32> -> vector<512x512xi32>
    %mul3A_52 = arith.muli %mul3A_32, %concatenate3A_51 : vector<512x512xi32>
    %slice3A_53 = vector.extract_strided_slice %mul3A_37 {offsets = [0, 1], sizes = [512, 511], strides = [1, 1]} : vector<512x512xi32> to vector<512x511xi32>
    %broadcast_in_dim3A_54 = arith.constant 0 : i32
    %broadcast_in_dim3A_55 = vector.broadcast %broadcast_in_dim3A_54 : i32 to vector<512x1xi32>
    %concatenate3A_56 = tpu.concatenate %slice3A_53, %broadcast_in_dim3A_55 in 1 : vector<512x511xi32>, vector<512x1xi32> -> vector<512x512xi32>
    %mul3A_57 = arith.muli %mul3A_37, %concatenate3A_56 : vector<512x512xi32>
    %sub3A = arith.constant 1 : i32
    %sub3A_58 = vector.broadcast %sub3A : i32 to vector<512x512xi32>
    %sub3A_59 = arith.subi %sub3A_58, %mul3A_22 : vector<512x512xi32>
    %mul3A_60 = arith.constant 268435456 : i32
    %mul3A_61 = vector.broadcast %mul3A_60 : i32 to vector<512x512xi32>
    %mul3A_62 = arith.muli %sub3A_59, %mul3A_61 : vector<512x512xi32>
    %sub3A_63 = arith.constant 1 : i32
    %sub3A_64 = vector.broadcast %sub3A_63 : i32 to vector<512x512xi32>
    %sub3A_65 = arith.subi %sub3A_64, %mul3A_27 : vector<512x512xi32>
    %mul3A_66 = arith.constant 268435456 : i32
    %mul3A_67 = vector.broadcast %mul3A_66 : i32 to vector<512x512xi32>
    %mul3A_68 = arith.muli %sub3A_65, %mul3A_67 : vector<512x512xi32>
    %sub3A_69 = arith.constant 1 : i32
    %sub3A_70 = vector.broadcast %sub3A_69 : i32 to vector<512x512xi32>
    %sub3A_71 = arith.subi %sub3A_70, %mul3A_32 : vector<512x512xi32>
    %mul3A_72 = arith.constant 268435456 : i32
    %mul3A_73 = vector.broadcast %mul3A_72 : i32 to vector<512x512xi32>
    %mul3A_74 = arith.muli %sub3A_71, %mul3A_73 : vector<512x512xi32>
    %sub3A_75 = arith.constant 1 : i32
    %sub3A_76 = vector.broadcast %sub3A_75 : i32 to vector<512x512xi32>
    %sub3A_77 = arith.subi %sub3A_76, %mul3A_37 : vector<512x512xi32>
    %mul3A_78 = arith.constant 268435456 : i32
    %mul3A_79 = vector.broadcast %mul3A_78 : i32 to vector<512x512xi32>
    %mul3A_80 = arith.muli %sub3A_77, %mul3A_79 : vector<512x512xi32>
    %sub3A_81 = arith.constant 1 : i32
    %sub3A_82 = vector.broadcast %sub3A_81 : i32 to vector<512x512xi32>
    %sub3A_83 = arith.subi %sub3A_82, %mul3A_42 : vector<512x512xi32>
    %mul3A_84 = arith.constant 268435456 : i32
    %mul3A_85 = vector.broadcast %mul3A_84 : i32 to vector<512x512xi32>
    %mul3A_86 = arith.muli %sub3A_83, %mul3A_85 : vector<512x512xi32>
    %sub3A_87 = arith.constant 1 : i32
    %sub3A_88 = vector.broadcast %sub3A_87 : i32 to vector<512x512xi32>
    %sub3A_89 = arith.subi %sub3A_88, %mul3A_47 : vector<512x512xi32>
    %mul3A_90 = arith.constant 268435456 : i32
    %mul3A_91 = vector.broadcast %mul3A_90 : i32 to vector<512x512xi32>
    %mul3A_92 = arith.muli %sub3A_89, %mul3A_91 : vector<512x512xi32>
    %sub3A_93 = arith.constant 1 : i32
    %sub3A_94 = vector.broadcast %sub3A_93 : i32 to vector<512x512xi32>
    %sub3A_95 = arith.subi %sub3A_94, %mul3A_52 : vector<512x512xi32>
    %mul3A_96 = arith.constant 268435456 : i32
    %mul3A_97 = vector.broadcast %mul3A_96 : i32 to vector<512x512xi32>
    %mul3A_98 = arith.muli %sub3A_95, %mul3A_97 : vector<512x512xi32>
    %sub3A_99 = arith.constant 1 : i32
    %sub3A_100 = vector.broadcast %sub3A_99 : i32 to vector<512x512xi32>
    %sub3A_101 = arith.subi %sub3A_100, %mul3A_57 : vector<512x512xi32>
    %mul3A_102 = arith.constant 268435456 : i32
    %mul3A_103 = vector.broadcast %mul3A_102 : i32 to vector<512x512xi32>
    %mul3A_104 = arith.muli %sub3A_101, %mul3A_103 : vector<512x512xi32>
    %while3A = arith.constant true
    %while3A_105:2 = scf.while (%while3A_148 = %select_n3A, %while3A_149 = %while3A) : (vector<512x512xi32>, i1) -> (vector<512x512xi32>, i1) {
      scf.condition(%while3A_149) %while3A_148, %while3A_149 : vector<512x512xi32>, i1
    } do {
    ^bb0(%while3A_148: vector<512x512xi32>, %while3A_149: i1):
      %broadcast_in_dim3A_150 = arith.constant 262144 : i32
      %broadcast_in_dim3A_151 = vector.broadcast %broadcast_in_dim3A_150 : i32 to vector<512x1xi32>
      %slice3A_152 = vector.extract_strided_slice %while3A_148 {offsets = [0, 0], sizes = [512, 511], strides = [1, 1]} : vector<512x512xi32> to vector<512x511xi32>
      %concatenate3A_153 = tpu.concatenate %broadcast_in_dim3A_151, %slice3A_152 in 1 : vector<512x1xi32>, vector<512x511xi32> -> vector<512x512xi32>
      %add3A_154 = arith.addi %concatenate3A_153, %mul3A_74 : vector<512x512xi32>
      %min3A = arith.minsi %while3A_148, %add3A_154 : vector<512x512xi32>
      %slice3A_155 = vector.extract_strided_slice %min3A {offsets = [0, 1], sizes = [512, 511], strides = [1, 1]} : vector<512x512xi32> to vector<512x511xi32>
      %broadcast_in_dim3A_156 = arith.constant 262144 : i32
      %broadcast_in_dim3A_157 = vector.broadcast %broadcast_in_dim3A_156 : i32 to vector<512x1xi32>
      %concatenate3A_158 = tpu.concatenate %slice3A_155, %broadcast_in_dim3A_157 in 1 : vector<512x511xi32>, vector<512x1xi32> -> vector<512x512xi32>
      %add3A_159 = arith.addi %concatenate3A_158, %mul3A_80 : vector<512x512xi32>
      %min3A_160 = arith.minsi %min3A, %add3A_159 : vector<512x512xi32>
      %broadcast_in_dim3A_161 = arith.constant 262144 : i32
      %broadcast_in_dim3A_162 = vector.broadcast %broadcast_in_dim3A_161 : i32 to vector<512x2xi32>
      %slice3A_163 = vector.extract_strided_slice %min3A_160 {offsets = [0, 0], sizes = [512, 510], strides = [1, 1]} : vector<512x512xi32> to vector<512x510xi32>
      %concatenate3A_164 = tpu.concatenate %broadcast_in_dim3A_162, %slice3A_163 in 1 : vector<512x2xi32>, vector<512x510xi32> -> vector<512x512xi32>
      %add3A_165 = arith.addi %concatenate3A_164, %mul3A_98 : vector<512x512xi32>
      %min3A_166 = arith.minsi %min3A_160, %add3A_165 : vector<512x512xi32>
      %slice3A_167 = vector.extract_strided_slice %min3A_166 {offsets = [0, 2], sizes = [512, 510], strides = [1, 1]} : vector<512x512xi32> to vector<512x510xi32>
      %broadcast_in_dim3A_168 = arith.constant 262144 : i32
      %broadcast_in_dim3A_169 = vector.broadcast %broadcast_in_dim3A_168 : i32 to vector<512x2xi32>
      %concatenate3A_170 = tpu.concatenate %slice3A_167, %broadcast_in_dim3A_169 in 1 : vector<512x510xi32>, vector<512x2xi32> -> vector<512x512xi32>
      %add3A_171 = arith.addi %concatenate3A_170, %mul3A_104 : vector<512x512xi32>
      %min3A_172 = arith.minsi %min3A_166, %add3A_171 : vector<512x512xi32>
      %broadcast_in_dim3A_173 = arith.constant 262144 : i32
      %broadcast_in_dim3A_174 = vector.broadcast %broadcast_in_dim3A_173 : i32 to vector<1x512xi32>
      %slice3A_175 = vector.extract_strided_slice %min3A_172 {offsets = [0, 0], sizes = [511, 512], strides = [1, 1]} : vector<512x512xi32> to vector<511x512xi32>
      %concatenate3A_176 = tpu.concatenate %broadcast_in_dim3A_174, %slice3A_175 in 0 : vector<1x512xi32>, vector<511x512xi32> -> vector<512x512xi32>
      %add3A_177 = arith.addi %concatenate3A_176, %mul3A_62 : vector<512x512xi32>
      %min3A_178 = arith.minsi %min3A_172, %add3A_177 : vector<512x512xi32>
      %slice3A_179 = vector.extract_strided_slice %min3A_178 {offsets = [1, 0], sizes = [511, 512], strides = [1, 1]} : vector<512x512xi32> to vector<511x512xi32>
      %broadcast_in_dim3A_180 = arith.constant 262144 : i32
      %broadcast_in_dim3A_181 = vector.broadcast %broadcast_in_dim3A_180 : i32 to vector<1x512xi32>
      %concatenate3A_182 = tpu.concatenate %slice3A_179, %broadcast_in_dim3A_181 in 0 : vector<511x512xi32>, vector<1x512xi32> -> vector<512x512xi32>
      %add3A_183 = arith.addi %concatenate3A_182, %mul3A_68 : vector<512x512xi32>
      %min3A_184 = arith.minsi %min3A_178, %add3A_183 : vector<512x512xi32>
      %broadcast_in_dim3A_185 = arith.constant 262144 : i32
      %broadcast_in_dim3A_186 = vector.broadcast %broadcast_in_dim3A_185 : i32 to vector<2x512xi32>
      %slice3A_187 = vector.extract_strided_slice %min3A_184 {offsets = [0, 0], sizes = [510, 512], strides = [1, 1]} : vector<512x512xi32> to vector<510x512xi32>
      %concatenate3A_188 = tpu.concatenate %broadcast_in_dim3A_186, %slice3A_187 in 0 : vector<2x512xi32>, vector<510x512xi32> -> vector<512x512xi32>
      %add3A_189 = arith.addi %concatenate3A_188, %mul3A_86 : vector<512x512xi32>
      %min3A_190 = arith.minsi %min3A_184, %add3A_189 : vector<512x512xi32>
      %slice3A_191 = vector.extract_strided_slice %min3A_190 {offsets = [2, 0], sizes = [510, 512], strides = [1, 1]} : vector<512x512xi32> to vector<510x512xi32>
      %broadcast_in_dim3A_192 = arith.constant 262144 : i32
      %broadcast_in_dim3A_193 = vector.broadcast %broadcast_in_dim3A_192 : i32 to vector<2x512xi32>
      %concatenate3A_194 = tpu.concatenate %slice3A_191, %broadcast_in_dim3A_193 in 0 : vector<510x512xi32>, vector<2x512xi32> -> vector<512x512xi32>
      %add3A_195 = arith.addi %concatenate3A_194, %mul3A_92 : vector<512x512xi32>
      %min3A_196 = arith.minsi %min3A_190, %add3A_195 : vector<512x512xi32>
      %ne3A = arith.cmpi ne, %min3A_196, %while3A_148 : vector<512x512xi32>
      %reduce_or3A = arith.constant 1.000000e+00 : f32
      %reduce_or3A_197 = arith.constant 0.000000e+00 : f32
      %reduce_or3A_198 = vector.broadcast %reduce_or3A : f32 to vector<512x512xf32>
      %reduce_or3A_199 = vector.broadcast %reduce_or3A_197 : f32 to vector<512x512xf32>
      %reduce_or3A_200 = arith.select %ne3A, %reduce_or3A_198, %reduce_or3A_199 : vector<512x512xi1>, vector<512x512xf32>
      %reduce_or3A_201 = vector.shape_cast %reduce_or3A_200 : vector<512x512xf32> to vector<1x512x512xf32>
      %reduce_or3A_202 = arith.constant dense<0xFF800000> : vector<1xf32>
      %reduce_or3A_203 = vector.multi_reduction <maximumf>, %reduce_or3A_201, %reduce_or3A_202 [1, 2] : vector<1x512x512xf32> to vector<1xf32>
      %reduce_or3A_204 = vector.shape_cast %reduce_or3A_203 : vector<1xf32> to vector<1x1x1xf32>
      %reduce_or3A_205 = vector.extract %reduce_or3A_204[0, 0, 0] : f32 from vector<1x1x1xf32>
      %reduce_or3A_206 = arith.constant 0.000000e+00 : f32
      %reduce_or3A_207 = arith.cmpf ogt, %reduce_or3A_205, %reduce_or3A_206 : f32
      scf.yield %min3A_196, %reduce_or3A_207 : vector<512x512xi32>, i1
    }
    %select_n3A_106 = arith.select %gt3A_10, %while3A_105#0, %add3A_14 : vector<512x512xi1>, vector<512x512xi32>
    %swap3A = arith.constant 0 : index
    %swap3A_107 = arith.constant 0 : index
    %swap3A_108 = arith.constant 0 : index
    %swap3A_109 = vector.load %arg3[%swap3A, %swap3A_107, %swap3A_108] : memref<1x512x512xi32, #tpu.memory_space<vmem>>, vector<1x512x512xi32>
    %swap3A_110 = vector.shape_cast %swap3A_109 : vector<1x512x512xi32> to vector<512x512xi32>
    %swap3A_111 = vector.shape_cast %select_n3A_106 : vector<512x512xi32> to vector<1x512x512xi32>
    tpu.vector_store %arg3[%swap3A, %swap3A_107, %swap3A_108], %swap3A_111 {strides = array<i32>} : memref<1x512x512xi32, #tpu.memory_space<vmem>>, vector<1x512x512xi32>,
    %mul3A_112 = arith.mulf %get3A_3, %get3A_8 : vector<512x512xf32>
    %jit3A_113 = arith.constant 0.000000e+00 : f32
    %broadcast_in_dim3A_114 = vector.broadcast %jit3A_113 : f32 to vector<512x512xf32>
    %select_n3A_115 = arith.select %gt3A_10, %mul3A_112, %broadcast_in_dim3A_114 : vector<512x512xi1>, vector<512x512xf32>
    %swap3A_116 = arith.constant 0 : index
    %swap3A_117 = arith.constant 0 : index
    %swap3A_118 = arith.constant 0 : index
    %swap3A_119 = vector.load %arg4[%swap3A_116, %swap3A_117, %swap3A_118] : memref<1x512x512xf32, #tpu.memory_space<vmem>>, vector<1x512x512xf32>
    %swap3A_120 = vector.shape_cast %swap3A_119 : vector<1x512x512xf32> to vector<512x512xf32>
    %swap3A_121 = vector.shape_cast %select_n3A_115 : vector<512x512xf32> to vector<1x512x512xf32>
    tpu.vector_store %arg4[%swap3A_116, %swap3A_117, %swap3A_118], %swap3A_121 {strides = array<i32>} : memref<1x512x512xf32, #tpu.memory_space<vmem>>, vector<1x512x512xf32>,
    %mul3A_122 = arith.mulf %get3A_3, %get3A_8 : vector<512x512xf32>
    %add3A_123 = arith.constant 2.000000e+00 : f32
    %add3A_124 = vector.broadcast %add3A_123 : f32 to vector<512x512xf32>
    %add3A_125 = arith.addf %mul3A_122, %add3A_124 : vector<512x512xf32>
    %sub3A_126 = arith.subf %add3A_125, %get3A_3 : vector<512x512xf32>
    %sub3A_127 = arith.subf %sub3A_126, %get3A_8 : vector<512x512xf32>
    %jit3A_128 = arith.constant 0.000000e+00 : f32
    %broadcast_in_dim3A_129 = vector.broadcast %jit3A_128 : f32 to vector<512x512xf32>
    %select_n3A_130 = arith.select %gt3A_10, %sub3A_127, %broadcast_in_dim3A_129 : vector<512x512xi1>, vector<512x512xf32>
    %swap3A_131 = arith.constant 0 : index
    %swap3A_132 = arith.constant 0 : index
    %swap3A_133 = arith.constant 0 : index
    %swap3A_134 = vector.load %arg5[%swap3A_131, %swap3A_132, %swap3A_133] : memref<1x512x512xf32, #tpu.memory_space<vmem>>, vector<1x512x512xf32>
    %swap3A_135 = vector.shape_cast %swap3A_134 : vector<1x512x512xf32> to vector<512x512xf32>
    %swap3A_136 = vector.shape_cast %select_n3A_130 : vector<512x512xf32> to vector<1x512x512xf32>
    tpu.vector_store %arg5[%swap3A_131, %swap3A_132, %swap3A_133], %swap3A_136 {strides = array<i32>} : memref<1x512x512xf32, #tpu.memory_space<vmem>>, vector<1x512x512xf32>,
    %eq3A = arith.cmpi eq, %while3A_105#0, %add3A_14 : vector<512x512xi32>
    %and3A = arith.andi %gt3A_10, %eq3A : vector<512x512xi1>
    %jit3A_137 = arith.constant 1.000000e+00 : f32
    %jit3A_138 = arith.constant 0.000000e+00 : f32
    %broadcast_in_dim3A_139 = vector.broadcast %jit3A_137 : f32 to vector<512x512xf32>
    %broadcast_in_dim3A_140 = vector.broadcast %jit3A_138 : f32 to vector<512x512xf32>
    %select_n3A_141 = arith.select %and3A, %broadcast_in_dim3A_139, %broadcast_in_dim3A_140 : vector<512x512xi1>, vector<512x512xf32>
    %swap3A_142 = arith.constant 0 : index
    %swap3A_143 = arith.constant 0 : index
    %swap3A_144 = arith.constant 0 : index
    %swap3A_145 = vector.load %arg6[%swap3A_142, %swap3A_143, %swap3A_144] : memref<1x512x512xf32, #tpu.memory_space<vmem>>, vector<1x512x512xf32>
    %swap3A_146 = vector.shape_cast %swap3A_145 : vector<1x512x512xf32> to vector<512x512xf32>
    %swap3A_147 = vector.shape_cast %select_n3A_141 : vector<512x512xf32> to vector<1x512x512xf32>
    tpu.vector_store %arg6[%swap3A_142, %swap3A_143, %swap3A_144], %swap3A_147 {strides = array<i32>} : memref<1x512x512xf32, #tpu.memory_space<vmem>>, vector<1x512x512xf32>,
    return
  }
  func.func @transform_0(%arg0: i32) -> (i32, i32, i32) {
    %c0_i32 = arith.constant 0 : i32
    %c0_i32_0 = arith.constant 0 : i32
    %c0_i32_1 = arith.constant 0 : i32
    return %arg0, %c0_i32, %c0_i32_0 : i32, i32, i32
  }
  func.func @transform_1(%arg0: i32) -> (i32, i32, i32) {
    %c0_i32 = arith.constant 0 : i32
    %c0_i32_0 = arith.constant 0 : i32
    %c0_i32_1 = arith.constant 0 : i32
    return %arg0, %c0_i32, %c0_i32_0 : i32, i32, i32
  }
  func.func @transform_2(%arg0: i32) -> (i32, i32, i32) {
    %c0_i32 = arith.constant 0 : i32
    %c0_i32_0 = arith.constant 0 : i32
    %c0_i32_1 = arith.constant 0 : i32
    return %arg0, %c0_i32, %c0_i32_0 : i32, i32, i32
  }
  func.func @transform_3(%arg0: i32) -> (i32, i32, i32) {
    %c0_i32 = arith.constant 0 : i32
    %c0_i32_0 = arith.constant 0 : i32
    %c0_i32_1 = arith.constant 0 : i32
    return %arg0, %c0_i32, %c0_i32_0 : i32, i32, i32
  }
  func.func @transform_4(%arg0: i32) -> (i32, i32, i32) {
    %c0_i32 = arith.constant 0 : i32
    %c0_i32_0 = arith.constant 0 : i32
    %c0_i32_1 = arith.constant 0 : i32
    return %arg0, %c0_i32, %c0_i32_0 : i32, i32, i32
  }
  func.func @transform_5(%arg0: i32) -> (i32, i32, i32) {
    %c0_i32 = arith.constant 0 : i32
    %c0_i32_0 = arith.constant 0 : i32
    %c0_i32_1 = arith.constant 0 : i32
    return %arg0, %c0_i32, %c0_i32_0 : i32, i32, i32
  }
}

</mosaic_0001>

<sc_bundles>
// kernel: kernel.6.cloned.1.call-start
scs
__scs_entry_jumppad:
0x0: {  	(pc) =	sbr.rel $0x88, $3  }
0x1: {  	(tag) =	ssettag $0x0;
	lr =	simm.s32 $0x1  }
0x2: {  	[smem:$0x3F9F] =	sst lr;
	_ =	strace $0xD0000000  }
0x3: {  	_ = 	snop  }
0x4: {  	_ = 	snop  }
0x5: {  	_ = 	snop  }
0x6: {  	_ = 	snop  }
0x7: {  	_ = 	snop  }
__scs_overlays_trampoline_lowered:
0x8: {  	[smem:$0x3FAE] =	sst s0  }
0x9: {  	[smem:$0x3FAF] =	sst s1  }
0xa: {  	[smem:$0x3FB0] =	sst s2  }
0xb: {  	[smem:$0x3FB1] =	sst s3  }
0xc: {  	[smem:$0x3FB2] =	sst s4  }
0xd: {  	[smem:$0x3FB3] =	sst s5  }
0xe: {  	[smem:$0x3FB4] =	sst s6  }
0xf: {  	[smem:$0x3FB5] =	sst s7  }
0x10: {  	[smem:$0x3FB6] =	sst s8  }
0x11: {  	[smem:$0x3FB7] =	sst s9;
	s0 =	simm.s32 @!p0 $0x0  }
0x12: {  	s1 =	sld [smem:$0x3F9D];
	s0 =	simm.s32 @p0 $0x1  }
0x13: {  	[smem:$0x3FB8] =	sst s0;
	s0 =	simm.s32 @!p1 $0x0  }
0x14: {  	s2 =	sld [smem:$0x3F9C];
	s0 =	simm.s32 @p1 $0x1  }
0x15: {  	[smem:$0x3FB9] =	sst s0;
	s0 =	simm.s32 @!p2 $0x0  }
0x16: {  	s3 =	sld [smem:$0x3FDB];
	s0 =	simm.s32 @p2 $0x1  }
0x17: {  	s4 =	simm.s32 $0x1BF5;
	[smem:$0x3FBB] =	sst s0  }
0x18: {  	s0 =	sld [smem:$0x3F9E];
	_ =	swait.ge [sflag:s4], $0x0  }
0x19: {  	s7 =	sld [smem:$0x3F9F]  }
0x1a: {  	s8 =	sadd.s32 $0xFFFFE003, lr  }
0x1b: {  	s9 =	sadd.s32 $0xFFFFFEF7, lr;
	s5 =	simm.s32 $0xFFFFFFFF;
	p2 =	slt.u32 s8, $0xFFFFF086  }
0x1c: {  	p1 =	slt.u32 s9, $0xF7A;
	s5 =	simm.s32 @!p2 $0x0  }
0x1d: {  	s5 =	simm.s32 @p1 $0x1;
	p0 =	seq.s32 s7, s2  }
0x1e: {  	s7 =	smul.u32 @!p0 $0xF7A, s2;
	p2 =	seq.s32 @!p0 s5, $0x0  }
0x1f: {  	s9 =	smul.u32 $0xF7A, s1;
	s8 =	simm.s32 @!p0 $0x1BF5;
	p2 =	por !p2, p0  }
0x20: {  	[sflag:s8] =	ssyncset.s32 @!p0 $0xFFFFF086;
	s6 =	sadd.s32 @!p0 s3, s7;
	s7 =	simm.s32 @!p0 $0x108  }
0x21: {  	s3 =	sadd.s32 s3, s9;
	s6 =	sadd.s32 @!p0 $0x88, s6;
	s7 =	simm.s32 @p2 $0x1082  }
0x22: {  	[simem:s7], [sflag:s8] =	dma.local @!p0 [hbm:s6], $0xF7A  }
0x23: {  	s9 =	sor.u32 $0xD0000000, s2;
	s6 =	simm.s32 $0x108;
	_ =	swait.ge @!p0 [sflag:s8], $0x0  }
0x24: {  	s3 =	sadd.s32 $0x88, s3;
	s6 =	simm.s32 @!p1 $0x1082;
	[sflag:s4] =	ssyncset.s32 $0xFFFFF086  }
0x25: {  	[simem:s6], [sflag:s4] =	dma.local [hbm:s3], $0xF7A  }
0x26: {  	[smem:$0x3F9F] =	sst s1;
	(tag) =	ssettag s2;
	_ =	strace s9  }
0x27: {  	s1 =	sld [smem:$0x3FAF]  }
0x28: {  	s2 =	sld [smem:$0x3FB0]  }
0x29: {  	s4 =	sld [smem:$0x3FB2]  }
0x2a: {  	p0 =	seq.s32 s5, $0x0;
	s5 =	sld [smem:$0x3FB3]  }
0x2b: {  	s6 =	sld [smem:$0x3FB4]  }
0x2c: {  	s7 =	sld [smem:$0x3FB5]  }
0x2d: {  	s3 =	simm.s32 $0x108;
	s8 =	sld [smem:$0x3FB6]  }
0x2e: {  	s3 =	simm.s32 @!p0 $0x1082;
	s9 =	sld [smem:$0x3FB7]  }
0x2f: {  	lr =	sadd.s32 s0, s3;
	s0 =	sld [smem:$0x3FAE]  }
0x30: {  	s3 =	sld [smem:$0x3FB1]  }
0x31: {  	[smem:$0x3FBA] =	sst s10  }
0x32: {  	s10 =	sld [smem:$0x3FB8];
	_ =	sdelay $0x3  }
0x33: {  	p0 =	seq.s32 s10, $0x1;
	s10 =	sld [smem:$0x3FBA];
	_ =	sdelay $0x3  }
0x34: {  	[smem:$0x3FBA] =	sst s10  }
0x35: {  	s10 =	sld [smem:$0x3FB9];
	_ =	sdelay $0x3  }
0x36: {  	p1 =	seq.s32 s10, $0x1;
	s10 =	sld [smem:$0x3FBA];
	_ =	sdelay $0x3  }
0x37: {  	[smem:$0x3FBA] =	sst s10  }
0x38: {  	s10 =	sld [smem:$0x3FBB]  }
0x39: {  	_ = 	snop;
	(pc) =	sbr.ind lr, $3  }
0x3a: {  	_ = 	snop  }
0x3b: {  	_ = 	snop  }
0x3c: {  	p2 =	seq.s32 s10, $0x1;
	s10 =	sld [smem:$0x3FBA]  }
0x3d: {  	_ =	shalt  }
0x3e: {  	_ =	shalt  }
0x3f: {  	_ =	shalt  }
0x40: {  	_ =	shalt  }
0x41: {  	_ =	shalt  }
0x42: {  	_ =	shalt  }
0x43: {  	_ =	shalt  }
0x44: {  	_ =	shalt  }
0x45: {  	_ =	shalt  }
0x46: {  	_ =	shalt  }
0x47: {  	_ =	shalt  }
0x48: {  	_ =	shalt  }
0x49: {  	_ =	shalt  }
0x4a: {  	_ =	shalt  }
0x4b: {  	_ =	shalt  }
0x4c: {  	_ =	shalt  }
0x4d: {  	_ =	shalt  }
0x4e: {  	_ =	shalt  }
0x4f: {  	_ =	shalt  }
0x50: {  	_ =	shalt  }
0x51: {  	_ =	shalt  }
0x52: {  	_ =	shalt  }
0x53: {  	_ =	shalt  }
0x54: {  	_ =	shalt  }
0x55: {  	_ =	shalt  }
0x56: {  	_ =	shalt  }
0x57: {  	_ =	shalt  }
0x58: {  	_ =	shalt  }
0x59: {  	_ =	shalt  }
0x5a: {  	_ =	shalt  }
0x5b: {  	_ =	shalt  }
0x5c: {  	_ =	shalt  }
0x5d: {  	_ =	shalt  }
0x5e: {  	_ =	shalt  }
0x5f: {  	_ =	shalt  }
0x60: {  	_ =	shalt  }
0x61: {  	_ =	shalt  }
0x62: {  	_ =	shalt  }
0x63: {  	_ =	shalt  }
0x64: {  	_ =	shalt  }
0x65: {  	_ =	shalt  }
0x66: {  	_ =	shalt  }
0x67: {  	_ =	shalt  }
0x68: {  	_ =	shalt  }
0x69: {  	_ =	shalt  }
0x6a: {  	_ =	shalt  }
0x6b: {  	_ =	shalt  }
0x6c: {  	_ =	shalt  }
0x6d: {  	_ =	shalt  }
0x6e: {  	_ =	shalt  }
0x6f: {  	_ =	shalt  }
0x70: {  	_ =	shalt  }
0x71: {  	_ =	shalt  }
0x72: {  	_ =	shalt  }
0x73: {  	_ =	shalt  }
0x74: {  	_ =	shalt  }
0x75: {  	_ =	shalt  }
0x76: {  	_ =	shalt  }
0x77: {  	_ =	shalt  }
0x78: {  	_ =	shalt  }
0x79: {  	_ =	shalt  }
0x7a: {  	_ =	shalt  }
0x7b: {  	_ =	shalt  }
0x7c: {  	_ =	shalt  }
0x7d: {  	_ =	shalt  }
0x7e: {  	_ =	shalt  }
0x7f: {  	_ =	shalt  }
0x80: {  	_ =	shalt  }
0x81: {  	_ =	shalt  }
0x82: {  	_ =	shalt  }
0x83: {  	_ =	shalt  }
0x84: {  	_ =	shalt  }
0x85: {  	_ =	shalt  }
0x86: {  	_ =	shalt  }
0x87: {  	_ =	shalt  }
.Lfunc_end0:
.L_simem_size_0:
called_computation_lowered:
.L_overlay_start_0:
0x88: {  	s2 =	sld [smem:$0x3FD9]  }
0x89: {  	s3 =	sld [smem:$0x3FFE];
	_ =	sdelay $0x1  }
0x8a: {  	s1 =	srdreg.scid  }
0x8b: {  	s0 =	sand.u32 $0x1, s1  }
0x8c: {  	s16 =	sshll.u32 s0, $0xA;
	s2 =	sadd.s32 s3, s2  }
0x8d: {  	s2 =	sadd.s32 s2, s16  }
0x8e: {  	[smem:$0x3FC6] =	sst s2  }
0x8f: {  	_ = 	snop  }
0x90: {  	(tm) =	ssettm $0x1  }
0x91: {  	s17 =	sld [smem:$0x3FFB];
	_ =	sdelay $0x3  }
0x92: {  	_ =	strace s17  }
0x93: {  	s2 =	sld [smem:$0x3FFC];
	_ =	sdelay $0x3  }
0x94: {  	_ =	strace s2  }
0x95: {  	s2 =	sld [smem:$0x3FFD];
	_ =	sdelay $0x3  }
0x96: {  	_ =	strace s2  }
0x97: {  	_ =	strace $0x8FFFFFFF  }
0x98: {  	s18 =	sld [smem:$0x3FDB];
	_ =	sdelay $0x1  }
0x99: {  	s19 =	simm.s32 $_scs_section_size  }
0x9a: {  	s4 =	simm.s32 $_size__tile_overlayer_lowered;
	s5 =	simm.s32 $_tile_overlayer_lowered  }
0x9b: {  	s22 =	simm.s32 $0x1BFF;
	s21 =	sshll.u32 s5, $0x1;
	s2 =	sadd.s32 s19, s18  }
0x9c: {  	s6 =	simm.s32 $0x0;
	s20 =	sshll.u32 s4, $0x1;
	s4 =	sadd.s32 s21, s2  }
0x9d: {  	[timem:s6], [sflag:s22] =	dma.local [hbm:s4], s20  }
0x9e: {  	_ =	swait.ge [sflag:s22], s20  }
0x9f: {  	s3 =	ssub.s32 $0x0, s20;
	[sflag:s22] =	ssyncset.done $0x0  }
0xa0: {  	[sflag:s22] =	ssyncadd.s32 s3;
	_ =	sdelay $0x1  }
0xa1: {  	s23 =	simm.s32 $0x1B8B  }
0xa2: {  	_ =	swait.ge [sflag:s23], $0x1  }
0xa3: {  	[sflag:s23] =	ssyncset.done $0x0  }
0xa4: {  	s25 =	simm.s32 $0x1B8E;
	s24 =	sld [smem:$0x3FFE];
	[sflag:s23] =	ssyncadd.s32 $0xFFFFFFFF  }
0xa5: {  	s26 =	simm.s32 $execute0_lowered;
	[smem:$0x3FD2] =	sst s25  }
0xa6: {  	s4 =	sshll.u32 s26, $0x1;
	_ =	strace $0x80000046;
	[dreg:$0x1] =	wrdreg $0xFFFFFFFF  }
0xa7: {  	s28 =	simm.s32 $_size_execute0_lowered;
	s2 =	sadd.s32 s2, s4;
	[dreg:$0x0] =	wrdreg $0x0  }
0xa8: {  	s4 =	sshll.u32 s28, $0x1;
	[dreg:$0x2] =	wrdreg s2  }
0xa9: {  	[dreg:$0x3] =	wrdreg s4  }
0xaa: {  	[dreg:$0x4] =	wrdreg $0xC0  }
0xab: {  	_ =	task [dreg:s6], $0x5FFFF  }
0xac: {  	[dreg:$0x1] =	wrdreg $0xFFFFFFFF  }
0xad: {  	[dreg:$0x0] =	wrdreg $0x60  }
0xae: {  	[dreg:$0x2] =	wrdreg s24  }
0xaf: {  	[dreg:$0x3] =	wrdreg $0x121000  }
0xb0: {  	[dreg:$0x4] =	wrdreg $0x161000  }
0xb1: {  	[dreg:$0x5] =	wrdreg $0x9  }
0xb2: {  	_ =	task.clear_ibuf [dreg:s6], $0x6FFFF;
	_ =	strace $0x90000046  }
0xb3: {  	s29 =	simm.s32 $0x9;
	_ =	strace $0x80000048  }
0xb4: {  	_ =	swait.ge [sflag:s29], $0x1  }
0xb5: {  	[sflag:s29] =	ssyncadd.s32 $0xFFFFFFFF  }
0xb6: {  	_ =	strace $0x90000048  }
0xb7: {  	_ =	sfence  }
0xb8: {  	s30 =	sld [smem:$0x0];
	_ =	sdelay $0x2  }
0xb9: {  	s31 =	sshll.u32 s1, $0xD;
	s1 =	sshrl.u32 s1, $0x2  }
0xba: {  	s3 =	sand.u32 $0x4000, s31;
	s1 =	sadd.s32 s1, s30  }
0xbb: {  	s0 =	sor.u32 s3, s0;
	s1 =	sshll.u32 s1, $0x11  }
0xbc: {  	s0 =	sor.u32 s1, s0  }
0xbd: {  	s0 =	sadd.s32 $0x8F2B, s0  }
0xbe: {  	[sflag:s0] =	ssyncadd.remote.s32 $0x1  }
0xbf: {  	_ =	sfence.sel $0xFFFF  }
0xc0: {  	[dreg:$0x0] =	wrdreg $0xFFFFFFFF;
	(pc) =	sbr.abs _section_cstart, $3  }
0xc1: {  	[dreg:$0x1] =	wrdreg $0xFFFFFFFF  }
0xc2: {  	_ =	task.clear_ibuf [dreg:s6], $0x2FFFF;
	_ =	strace $0x9FFFFFFF  }
0xc3: {  	(tm) =	ssettm $0x7FFFFFFF  }
tec
execute0_lowered:
.L_overlay_start_1:
0x0: {  	(tag) =	ssettag $0x1  }
0x1: {  	s0 =	rddreg [dreg:$0x0]  }
0x2: {  	s2 =	rddreg [dreg:$0x1]  }
0x3: {  	s3 =	rddreg [dreg:$0x2];
	s1 =	srdreg.scid  }
0x4: {  	s10 =	stileid.u32;
	s4 =	simm.s32 $0x0;
	s19 =	simm.s32 $0x2  }
0x5: {  	s23 =	simm.s32 $0x80;
	s24 =	simm.s32 $0x1;
	s28 =	simm.s32 $0x100  }
0x6: {  	s29 =	simm.s32 $0x10000;
	s31 =	simm.s32 $0x0;
	s1 =	sand.u32 $0x1, s1  }
0x7: {  	s8 =	sshll.u32 s10, $0xE;
	[smem:$0x7FF] =	sst s4;
	s6 =	sshll.u32 s10, $0x5  }
0x8: {  	s26 =	sshll.u32 s10, $0x6;
	s12 =	sshll.u32 s10, $0xF;
	s14 =	sshll.u32 s10, $0x7  }
0x9: {  	s5 =	sshll.u32 s1, $0x12;
	_ =	strace $0x80000047;
	s7 =	ssub.s32 $0x2, s1  }
0xa: {  	s16 =	sadd.s32 s6, s0;
	s6 =	sadd.s32 s8, s2;
	s13 =	sshll.u32 s1, $0x7  }
0xb: {  	s14 =	sor.u32 $0x40, s14;
	s1 =	sshll.u32 s1, $0x9;
	s5 =	sor.u32 s8, s5  }
0xc: {  	s25 =	sshrl.u32 s7, $0x1;
	s8 =	sadd.s32 s8, s3;
	s12 =	sor.u32 s13, s12  }
0xd: {  	s15 =	sshll.u32 s14, $0x8;
	s14 =	sshll.u32 s14, $0x7;
	s30 =	sadd.s32 s1, s16  }
0xe: {  	s18 =	sshrl.u32 s6, $0x3;
	s5 =	sshrl.u32 s5, $0x3;
	s17 =	ssub.s32 s7, s25  }
0xf: {  	s7 =	sor.u32 $0x1C02, s26;
	s12 =	sshrl.u32 s12, $0x3;
	s15 =	sor.u32 s13, s15  }
0x10: {  	s13 =	sadd.s32 s14, s2;
	s14 =	sadd.s32 s14, s3;
	s16 =	sadd.s32 $0x40800, s30  }
0x11: {  	s20 =	sshrl.u32 s8, $0x3;
	s25 =	simm.s32 $0xC000;
	s26 =	simm.s32 $0xE000  }
0x12: {  	s11 =	sadd.s32 s5, s0;
	s5 =	sadd.s32 $0x40000, s0;
	s12 =	sadd.s32 s0, s12  }
0x13: {  	s15 =	sshrl.u32 s15, $0x3;
	s17 =	smax.u32 s17, $0x1;
	s9 =	sadd.s32 $0x20000, s11  }
0x14: {  	s10 =	sadd.s32 $0x30000, s11;
	s11 =	sadd.s32 $0x10000, s11;
	s15 =	sadd.s32 s0, s15  }
.LBB2_1:
0x15: {  	[spmem:s18], [sflag:s7] =	dma.local [hbm:s5], $0x800  }
0x16: {  	_ =	swait.ge [sflag:s19], $0x800  }
0x17: {  	[sflag:s19] =	ssyncset.done $0x0  }
0x18: {  	[sflag:s19] =	ssyncadd.s32 $0xFFFFF800  }
0x19: {  	[spmem:s20], [sflag:s7] =	dma.local [hbm:s5], $0x800  }
0x1a: {  	_ =	swait.ge [sflag:s19], $0x800  }
0x1b: {  	[sflag:s19] =	ssyncset.done $0x0  }
0x1c: {  	[sflag:s19] =	ssyncadd.s32 $0xFFFFF800  }
0x1d: {  	[tilespmem:s4], [sflag:$0x2] =	stream.linear.gather [hbm4b:s9+s4], $0x4000, $0x38;
	[tilespmem:$0x1A100] =	vst v63  }
0x1e: {  	_ =	swait.ge [sflag:s19], $0x4000  }
0x1f: {  	[sflag:s19] =	ssyncset.done $0x0  }
0x20: {  	s0 =	simm.s32 $0x4000;
	[sflag:s19] =	ssyncadd.s32 $0xFFFFC000  }
0x21: {  	[tilespmem:s0], [sflag:$0x2] =	stream.linear.gather [hbm4b:s10+s4], $0x4000, $0x38;
	[tilespmem:$0x1A100] =	vst v63  }
0x22: {  	_ =	swait.ge [sflag:s19], $0x4000  }
0x23: {  	[sflag:s19] =	ssyncset.done $0x0  }
0x24: {  	s21 =	simm.s32 $0x8000;
	[sflag:s19] =	ssyncadd.s32 $0xFFFFC000  }
0x25: {  	[tilespmem:s21], [sflag:$0x2] =	stream.linear.gather [hbm4b:s11+s4], $0x4000, $0x38;
	[tilespmem:$0x1A100] =	vst v63  }
0x26: {  	_ =	swait.ge [sflag:s19], $0x4000  }
0x27: {  	[sflag:s19] =	ssyncset.done $0x0  }
0x28: {  	[sflag:s19] =	ssyncadd.s32 $0xFFFFC000  }
0x29: {  	s22 =	simm.s32 $0x0;
	s1 =	simm.s32 $0x4000;
	[bflag:$0x0] =	sbarrier.arrive $0xFFFF  }
0x2a: {  	[spmem:s2] =	stream.indirect.scatter.add.f32 [tilespmem:s1], [sflag:$0x1], $0x1, s22, s23, $0xb8;
	[tilespmem:$0x1A100] =	vst v63  }
0x2b: {  	s30 =	simm.s32 $0x8000  }
0x2c: {  	[spmem:s3] =	stream.indirect.scatter.add.f32 [tilespmem:s30], [sflag:$0x1], $0x1, s22, s23, $0xb8;
	[tilespmem:$0x1A100] =	vst v63  }
0x2d: {  	s21 =	simm.s32 $0x4080;
	s22 =	simm.s32 $0x80  }
0x2e: {  	[spmem:s2] =	stream.indirect.scatter.add.f32 [tilespmem:s21], [sflag:$0x1], $0x1, s22, s23, $0xb8;
	[tilespmem:$0x1A100] =	vst v63  }
0x2f: {  	s30 =	simm.s32 $0x8080  }
0x30: {  	[spmem:s3] =	stream.indirect.scatter.add.f32 [tilespmem:s30], [sflag:$0x1], $0x1, s22, s23, $0xb8;
	[tilespmem:$0x1A100] =	vst v63  }
0x31: {  	s21 =	simm.s32 $0x4100;
	s22 =	simm.s32 $0x100  }
0x32: {  	[spmem:s2] =	stream.indirect.scatter.add.f32 [tilespmem:s21], [sflag:$0x1], $0x1, s22, s23, $0xb8;
	[tilespmem:$0x1A100] =	vst v63  }
0x33: {  	s30 =	simm.s32 $0x8100  }
0x34: {  	[spmem:s3] =	stream.indirect.scatter.add.f32 [tilespmem:s30], [sflag:$0x1], $0x1, s22, s23, $0xb8;
	[tilespmem:$0x1A100] =	vst v63  }
0x35: {  	s21 =	simm.s32 $0x4180;
	s22 =	simm.s32 $0x180  }
0x36: {  	[spmem:s2] =	stream.indirect.scatter.add.f32 [tilespmem:s21], [sflag:$0x1], $0x1, s22, s23, $0xb8;
	[tilespmem:$0x1A100] =	vst v63  }
0x37: {  	s30 =	simm.s32 $0x8180  }
0x38: {  	[spmem:s3] =	stream.indirect.scatter.add.f32 [tilespmem:s30], [sflag:$0x1], $0x1, s22, s23, $0xb8;
	[tilespmem:$0x1A100] =	vst v63  }
0x39: {  	_ =	swait.ge [sflag:s24], $0x80  }
0x3a: {  	[sflag:s24] =	ssyncset.done $0x0  }
0x3b: {  	[sflag:s24] =	ssyncadd.s32 $0xFFFFFF80  }
0x3c: {  	_ =	swait.ge [sflag:s24], $0x80  }
0x3d: {  	[sflag:s24] =	ssyncset.done $0x0  }
0x3e: {  	[sflag:s24] =	ssyncadd.s32 $0xFFFFFF80  }
0x3f: {  	_ =	swait.ge [sflag:s24], $0x80  }
0x40: {  	[sflag:s24] =	ssyncset.done $0x0  }
0x41: {  	[sflag:s24] =	ssyncadd.s32 $0xFFFFFF80  }
0x42: {  	_ =	swait.ge [sflag:s24], $0x80  }
0x43: {  	[sflag:s24] =	ssyncset.done $0x0  }
0x44: {  	[sflag:s24] =	ssyncadd.s32 $0xFFFFFF80  }
0x45: {  	_ =	swait.ge [sflag:s24], $0x80  }
0x46: {  	[sflag:s24] =	ssyncset.done $0x0  }
0x47: {  	[sflag:s24] =	ssyncadd.s32 $0xFFFFFF80  }
0x48: {  	_ =	swait.ge [sflag:s24], $0x80  }
0x49: {  	[sflag:s24] =	ssyncset.done $0x0  }
0x4a: {  	[sflag:s24] =	ssyncadd.s32 $0xFFFFFF80  }
0x4b: {  	_ =	swait.ge [sflag:s24], $0x80  }
0x4c: {  	[sflag:s24] =	ssyncset.done $0x0  }
0x4d: {  	[sflag:s24] =	ssyncadd.s32 $0xFFFFFF80  }
0x4e: {  	_ =	swait.ge [sflag:s24], $0x80  }
0x4f: {  	s0 =	simm.s32 $0x1000;
	s21 =	simm.s32 $0x200;
	[sflag:s24] =	ssyncset.done $0x0  }
.LBB2_2:
0x50: {  	s30 =	sadd.s32 $0x4000, s21  }
0x51: {  	[sflag:s24] =	ssyncadd.s32 $0xFFFFFF80;
	s1 =	smov.u32 s0;
	s22 =	sadd.s32 $0x800, s0  }
0x52: {  	[spmem:s2] =	stream.indirect.scatter.add.f32 [tilespmem:s30], [sflag:$0x1], $0x1, s21, s23, $0xb8;
	[tilespmem:$0x1A100] =	vst v63  }
0x53: {  	p0 =	sne.s32 s0, $0xF800;
	s0 =	sadd.s32 $0x8000, s21  }
0x54: {  	[spmem:s3] =	stream.indirect.scatter.add.f32 [tilespmem:s0], [sflag:$0x1], $0x1, s21, s23, $0xb8;
	[tilespmem:$0x1A100] =	vst v63  }
0x55: {  	s30 =	sadd.s32 $0x80, s21;
	s0 =	sadd.s32 $0x4080, s21  }
0x56: {  	[spmem:s2] =	stream.indirect.scatter.add.f32 [tilespmem:s0], [sflag:$0x1], $0x1, s30, s23, $0xb8;
	[tilespmem:$0x1A100] =	vst v63  }
0x57: {  	s0 =	sadd.s32 $0x8080, s21  }
0x58: {  	[spmem:s3] =	stream.indirect.scatter.add.f32 [tilespmem:s0], [sflag:$0x1], $0x1, s30, s23, $0xb8;
	[tilespmem:$0x1A100] =	vst v63  }
0x59: {  	s0 =	sadd.s32 $0x4100, s21;
	s30 =	sadd.s32 $0x100, s21  }
0x5a: {  	[spmem:s2] =	stream.indirect.scatter.add.f32 [tilespmem:s0], [sflag:$0x1], $0x1, s30, s23, $0xb8;
	[tilespmem:$0x1A100] =	vst v63  }
0x5b: {  	s0 =	sadd.s32 $0x8100, s21  }
0x5c: {  	[spmem:s3] =	stream.indirect.scatter.add.f32 [tilespmem:s0], [sflag:$0x1], $0x1, s30, s23, $0xb8;
	[tilespmem:$0x1A100] =	vst v63  }
0x5d: {  	s0 =	sadd.s32 $0x4180, s21;
	s30 =	sadd.s32 $0x180, s21  }
0x5e: {  	[spmem:s2] =	stream.indirect.scatter.add.f32 [tilespmem:s0], [sflag:$0x1], $0x1, s30, s23, $0xb8;
	[tilespmem:$0x1A100] =	vst v63  }
0x5f: {  	s0 =	sadd.s32 $0x8180, s21  }
0x60: {  	[spmem:s3] =	stream.indirect.scatter.add.f32 [tilespmem:s0], [sflag:$0x1], $0x1, s30, s23, $0xb8;
	[tilespmem:$0x1A100] =	vst v63  }
0x61: {  	_ =	swait.ge [sflag:s24], $0x80  }
0x62: {  	[sflag:s24] =	ssyncset.done $0x0  }
0x63: {  	[sflag:s24] =	ssyncadd.s32 $0xFFFFFF80  }
0x64: {  	_ =	swait.ge [sflag:s24], $0x80  }
0x65: {  	[sflag:s24] =	ssyncset.done $0x0  }
0x66: {  	[sflag:s24] =	ssyncadd.s32 $0xFFFFFF80  }
0x67: {  	_ =	swait.ge [sflag:s24], $0x80  }
0x68: {  	[sflag:s24] =	ssyncset.done $0x0  }
0x69: {  	[sflag:s24] =	ssyncadd.s32 $0xFFFFFF80  }
0x6a: {  	_ =	swait.ge [sflag:s24], $0x80  }
0x6b: {  	[sflag:s24] =	ssyncset.done $0x0  }
0x6c: {  	[sflag:s24] =	ssyncadd.s32 $0xFFFFFF80  }
0x6d: {  	_ =	swait.ge [sflag:s24], $0x80  }
0x6e: {  	[sflag:s24] =	ssyncset.done $0x0  }
0x6f: {  	[sflag:s24] =	ssyncadd.s32 $0xFFFFFF80  }
0x70: {  	_ =	swait.ge [sflag:s24], $0x80  }
0x71: {  	[sflag:s24] =	ssyncset.done $0x0  }
0x72: {  	[sflag:s24] =	ssyncadd.s32 $0xFFFFFF80  }
.Ltmp0:
0x73: {  	_ =	swait.ge [sflag:s24], $0x80;
	(pc) =	sbr.rel @p0 .LBB2_2-.Ltmp0, $4  }
0x74: {  	[sflag:s24] =	ssyncset.done $0x0  }
0x75: {  	[sflag:s24] =	ssyncadd.s32 $0xFFFFFF80  }
0x76: {  	_ =	swait.ge [sflag:s24], $0x80  }
0x77: {  	s21 =	sshra.s32 s1, $0x2;
	s0 =	smov.u32 s22;
	[sflag:s24] =	ssyncset.done $0x0  }
0x78: {  	s0 =	sadd.s32 $0x4000, s21;
	[sflag:s24] =	ssyncadd.s32 $0xFFFFFF80  }
0x79: {  	[spmem:s2] =	stream.indirect.scatter.add.f32 [tilespmem:s0], [sflag:$0x1], $0x1, s21, s23, $0xb8;
	[tilespmem:$0x1A100] =	vst v63  }
0x7a: {  	s1 =	sadd.s32 $0x8000, s21  }
0x7b: {  	[spmem:s3] =	stream.indirect.scatter.add.f32 [tilespmem:s1], [sflag:$0x1], $0x1, s21, s23, $0xb8;
	[tilespmem:$0x1A100] =	vst v63  }
0x7c: {  	s22 =	sadd.s32 $0x4080, s21;
	s1 =	sadd.s32 $0x80, s21  }
0x7d: {  	[spmem:s2] =	stream.indirect.scatter.add.f32 [tilespmem:s22], [sflag:$0x1], $0x1, s1, s23, $0xb8;
	[tilespmem:$0x1A100] =	vst v63  }
0x7e: {  	s30 =	sadd.s32 $0x8080, s21  }
0x7f: {  	[spmem:s3] =	stream.indirect.scatter.add.f32 [tilespmem:s30], [sflag:$0x1], $0x1, s1, s23, $0xb8;
	[tilespmem:$0x1A100] =	vst v63  }
0x80: {  	s22 =	sadd.s32 $0x100, s21;
	s1 =	sadd.s32 $0x4100, s21  }
0x81: {  	[spmem:s2] =	stream.indirect.scatter.add.f32 [tilespmem:s1], [sflag:$0x1], $0x1, s22, s23, $0xb8;
	[tilespmem:$0x1A100] =	vst v63  }
0x82: {  	s30 =	sadd.s32 $0x8100, s21  }
0x83: {  	[spmem:s3] =	stream.indirect.scatter.add.f32 [tilespmem:s30], [sflag:$0x1], $0x1, s22, s23, $0xb8;
	[tilespmem:$0x1A100] =	vst v63  }
0x84: {  	s22 =	sadd.s32 $0x4180, s21;
	s30 =	sadd.s32 $0x180, s21  }
0x85: {  	[spmem:s2] =	stream.indirect.scatter.add.f32 [tilespmem:s22], [sflag:$0x1], $0x1, s30, s23, $0xb8;
	[tilespmem:$0x1A100] =	vst v63  }
0x86: {  	s22 =	sadd.s32 $0x8180, s21  }
0x87: {  	[spmem:s3] =	stream.indirect.scatter.add.f32 [tilespmem:s22], [sflag:$0x1], $0x1, s30, s23, $0xb8;
	[tilespmem:$0x1A100] =	vst v63  }
0x88: {  	_ =	swait.ge [sflag:s24], $0x80  }
0x89: {  	[sflag:s24] =	ssyncset.done $0x0  }
0x8a: {  	[sflag:s24] =	ssyncadd.s32 $0xFFFFFF80  }
0x8b: {  	_ =	swait.ge [sflag:s24], $0x80  }
0x8c: {  	[sflag:s24] =	ssyncset.done $0x0  }
0x8d: {  	[sflag:s24] =	ssyncadd.s32 $0xFFFFFF80  }
0x8e: {  	_ =	swait.ge [sflag:s24], $0x80  }
0x8f: {  	[sflag:s24] =	ssyncset.done $0x0  }
0x90: {  	[sflag:s24] =	ssyncadd.s32 $0xFFFFFF80  }
0x91: {  	_ =	swait.ge [sflag:s24], $0x80  }
0x92: {  	[sflag:s24] =	ssyncset.done $0x0  }
0x93: {  	[sflag:s24] =	ssyncadd.s32 $0xFFFFFF80  }
0x94: {  	_ =	swait.ge [sflag:s24], $0x80  }
0x95: {  	[sflag:s24] =	ssyncset.done $0x0  }
0x96: {  	[sflag:s24] =	ssyncadd.s32 $0xFFFFFF80  }
0x97: {  	_ =	swait.ge [sflag:s24], $0x80  }
0x98: {  	[sflag:s24] =	ssyncset.done $0x0  }
0x99: {  	[sflag:s24] =	ssyncadd.s32 $0xFFFFFF80  }
0x9a: {  	_ =	swait.ge [sflag:s24], $0x80  }
0x9b: {  	[sflag:s24] =	ssyncset.done $0x0  }
0x9c: {  	[sflag:s24] =	ssyncadd.s32 $0xFFFFFF80  }
0x9d: {  	_ =	swait.ge [sflag:s24], $0x80  }
0x9e: {  	[sflag:s24] =	ssyncset.done $0x0  }
0x9f: {  	[sflag:s24] =	ssyncadd.s32 $0xFFFFFF80  }
0xa0: {  	[bflag:$0x0] =	sbarrier.arrive $0xFFFF  }
0xa1: {  	[tilespmem:s25], [sflag:$0x2] =	stream.linear.gather [spmem:s6], $0x2000, $0x38;
	[tilespmem:$0x1A100] =	vst v63  }
0xa2: {  	_ =	swait.ge [sflag:s19], $0x2000  }
0xa3: {  	[sflag:s19] =	ssyncset.done $0x0  }
0xa4: {  	[sflag:s19] =	ssyncadd.s32 $0xFFFFE000  }
0xa5: {  	[tilespmem:s26], [sflag:$0x2] =	stream.linear.gather [spmem:s8], $0x2000, $0x38;
	[tilespmem:$0x1A100] =	vst v63  }
0xa6: {  	_ =	swait.ge [sflag:s19], $0x2000  }
0xa7: {  	[sflag:s19] =	ssyncset.done $0x0  }
0xa8: {  	[sflag:s19] =	ssyncadd.s32 $0xFFFFE000  }
0xa9: {  	[tilespmem:s29], [sflag:$0x2] =	stream.strided.gather [hbm4b:s12+s23], $0x2000, s28, s23, $0x38;
	[tilespmem:$0x1A100] =	vst v63  }
0xaa: {  	_ =	swait.ge [sflag:s19], $0x2000  }
0xab: {  	[sflag:s19] =	ssyncset.done $0x0  }
0xac: {  	s30 =	simm.s32 $0x0;
	[sflag:s19] =	ssyncadd.s32 $0xFFFFE000  }
0xad: {  	v0 =	vld [tilespmem:s30+$0xE000];
	_ =	sdelay $0x4  }
0xae: {  	v0 =	vadd.f32 $9.999999970e-07, v0  }
0xaf: {  	s1 =	simm.s32 $0x10  }
0xb0: {  	(erf) = vrcp.f32 v0;
	v0 =	vld [tilespmem:s1+$0xE000];
	_ =	sdelay $0x3  }
0xb1: {  	v1 =	vld [tilespmem:s30+$0xC000]  }
0xb2: {  	s0 =	simm.s32 $0x20;
	v3 =	vadd.f32 $9.999999970e-07, v0  }
0xb3: {  	v6 =	vld [tilespmem:s0+$0xE000]  }
0xb4: {  	v2 =	vld [tilespmem:s30+$0x10000];
	(erf) = vrcp.f32 v3;
	_ =	sdelay $0x1  }
0xb5: {  	v4 =	vadd.f32 $9.999999970e-07, v1  }
0xb6: {  	s21 =	simm.s32 $0xC0;
	v1 =	vimm.f32 $0.0e+00;
	v0 =	vimm.f32 $0.0e+00;
	v3 =	vld [tilespmem:s1+$0xC000];
	v5 =	vpop (erf)  }
.LBB2_4:
0xb7: {  	s22 =	sshra.s32 s21, $0x2;
	p0 =	sne.s32 s21, $0x7FC0;
	s21 =	sadd.s32 $0x40, s21;
	v7 =	vadd.f32 $9.999999970e-07, v6;
	v4 =	vmul.f32 v5, v4  }
.Ltmp1:
0xb8: {  	v6 =	vld [tilespmem:s22+$0xE000];
	vm0 =	vgt.f32 v2, $0.0e+00;
	v0 =	vadd.f32 v2, v0;
	(pc) =	sbr.rel @p0 .LBB2_4-.Ltmp1, $4  }
0xb9: {  	(erf) = vrcp.f32 v7;
	v2 =	vld [tilespmem:s1+$0x10000];
	v4 =	vnsel vm0, $0x0, v4;
	s1 =	smov.u32 s0;
	s0 =	smov.u32 s22  }
0xba: {  	v1 =	vadd.f32 v4, v1  }
0xbb: {  	v4 =	vadd.f32 $9.999999970e-07, v3  }
0xbc: {  	v3 =	vld [tilespmem:s1+$0xC000];
	v5 =	vpop (erf)  }
0xbd: {  	v6 =	vadd.f32 $9.999999970e-07, v6;
	_ =	sdelay $0x1  }
0xbe: {  	(erf) = vrcp.f32 v6;
	_ =	sdelay $0x6  }
0xbf: {  	v7 =	vld [tilespmem:s0+$0xC000]  }
0xc0: {  	v9 =	vld [tilespmem:s0+$0x10000];
	v8 =	vpop (erf)  }
0xc1: {  	v6 =	vld [tilespmem:s1+$0x10000];
	[tilespmem:s25], [sflag:$0x2] =	stream.linear.gather [spmem:s13], $0x2000, $0x38;
	v10 =	vpop (erf)  }
0xc2: {  	_ =	swait.ge [sflag:s19], $0x2000  }
0xc3: {  	[sflag:s19] =	ssyncset.done $0x0  }
0xc4: {  	[sflag:s19] =	ssyncadd.s32 $0xFFFFE000  }
0xc5: {  	[tilespmem:s26], [sflag:$0x2] =	stream.linear.gather [spmem:s14], $0x2000, $0x38;
	[tilespmem:$0x1A100] =	vst v63  }
0xc6: {  	_ =	swait.ge [sflag:s19], $0x2000  }
0xc7: {  	[sflag:s19] =	ssyncset.done $0x0  }
0xc8: {  	[sflag:s19] =	ssyncadd.s32 $0xFFFFE000  }
0xc9: {  	[tilespmem:s29], [sflag:$0x2] =	stream.strided.gather [hbm4b:s15+s23], $0x2000, s28, s23, $0x38;
	[tilespmem:$0x1A100] =	vst v63  }
0xca: {  	_ =	swait.ge [sflag:s19], $0x2000  }
0xcb: {  	[sflag:s19] =	ssyncset.done $0x0  }
0xcc: {  	s21 =	simm.s32 $0x0;
	[sflag:s19] =	ssyncadd.s32 $0xFFFFE000  }
0xcd: {  	v11 =	vld [tilespmem:s21+$0xE000];
	_ =	sdelay $0x4  }
0xce: {  	s0 =	simm.s32 $0x10;
	v11 =	vadd.f32 $9.999999970e-07, v11  }
0xcf: {  	v4 =	vmul.f32 v5, v4;
	v5 =	vld [tilespmem:s0+$0xE000]  }
0xd0: {  	v3 =	vadd.f32 $9.999999970e-07, v3;
	(erf) = vrcp.f32 v11  }
0xd1: {  	vm0 =	vgt.f32 v2, $0.0e+00  }
0xd2: {  	v0 =	vadd.f32 v2, v0;
	v2 =	vnsel vm0, $0x0, v4;
	v3 =	vmul.f32 v8, v3  }
0xd3: {  	v1 =	vadd.f32 v2, v1;
	v4 =	vadd.f32 $9.999999970e-07, v7;
	vm14 =	vgt.f32 v6, $0.0e+00;
	v7 =	vld [tilespmem:s21+$0xC000]  }
0xd4: {  	s1 =	simm.s32 $0x20;
	v3 =	vnsel vm14, $0x0, v3;
	v5 =	vadd.f32 $9.999999970e-07, v5  }
0xd5: {  	v2 =	vmul.f32 v10, v4;
	v4 =	vadd.f32 v3, v1;
	v3 =	vld [tilespmem:s1+$0xE000]  }
0xd6: {  	v1 =	vld [tilespmem:s21+$0x10000];
	(erf) = vrcp.f32 v5  }
0xd7: {  	vm15 =	vgt.f32 v9, $0.0e+00;
	v0 =	vadd.f32 v6, v0  }
0xd8: {  	v2 =	vnsel vm15, $0x0, v2;
	v5 =	vadd.f32 $9.999999970e-07, v7  }
0xd9: {  	v0 =	vadd.f32 v9, v0;
	v2 =	vadd.f32 v2, v4;
	s21 =	simm.s32 $0xC0;
	v4 =	vld [tilespmem:s0+$0xC000];
	v6 =	vpop (erf)  }
.LBB2_6:
0xda: {  	s22 =	sshra.s32 s21, $0x2;
	p0 =	sne.s32 s21, $0x7FC0;
	s21 =	sadd.s32 $0x40, s21;
	v7 =	vadd.f32 $9.999999970e-07, v3;
	v5 =	vmul.f32 v6, v5  }
.Ltmp2:
0xdb: {  	v3 =	vld [tilespmem:s22+$0xE000];
	vm0 =	vgt.f32 v1, $0.0e+00;
	v0 =	vadd.f32 v1, v0;
	(pc) =	sbr.rel @p0 .LBB2_6-.Ltmp2, $4  }
0xdc: {  	(erf) = vrcp.f32 v7;
	v1 =	vld [tilespmem:s0+$0x10000];
	v5 =	vnsel vm0, $0x0, v5;
	s0 =	smov.u32 s1;
	s1 =	smov.u32 s22  }
0xdd: {  	v2 =	vadd.f32 v5, v2  }
0xde: {  	v5 =	vadd.f32 $9.999999970e-07, v4  }
0xdf: {  	v4 =	vld [tilespmem:s0+$0xC000];
	v6 =	vpop (erf)  }
0xe0: {  	v3 =	vadd.f32 $9.999999970e-07, v3;
	_ =	sdelay $0x1  }
0xe1: {  	(erf) = vrcp.f32 v3;
	_ =	sdelay $0x2  }
0xe2: {  	v59 =	vld [tilespmem:s1+$0xC000]  }
0xe3: {  	v7 =	vld [tilespmem:s0+$0x10000];
	_ =	sdelay $0x1  }
0xe4: {  	v5 =	vmul.f32 v6, v5;
	v60 =	vld [tilespmem:s1+$0x10000];
	v4 =	vadd.f32 $9.999999970e-07, v4  }
0xe5: {  	vm0 =	vgt.f32 v1, $0.0e+00;
	v0 =	vadd.f32 v1, v0;
	v8 =	vpop (erf)  }
0xe6: {  	v5 =	vnsel vm0, $0x0, v5;
	v3 =	vadd.f32 $9.999999970e-07, v59;
	v4 =	vmul.f32 v8, v4  }
0xe7: {  	v2 =	vadd.f32 v5, v2;
	vm14 =	vgt.f32 v7, $0.0e+00;
	v61 =	vpop (erf)  }
0xe8: {  	v0 =	vadd.f32 v7, v0;
	v62 =	vnsel vm14, $0x0, v4;
	v3 =	vmul.f32 v61, v3  }
0xe9: {  	vm15 =	vgt.f32 v60, $0.0e+00;
	v1 =	vadd.f32 v62, v2  }
0xea: {  	v0 =	vadd.f32 v60, v0;
	v63 =	vnsel vm15, $0x0, v3  }
0xeb: {  	v1 =	vadd.f32 v63, v1  }
0xec: {  	s31 =	sadd.s32 $0x1, s31;
	[tilespmem:$0x12080] =	vst v0  }
0xed: {  	s30 =	simm.s32 $0x12000;
	p0 =	sne.s32 s31, s17;
	[tilespmem:$0x12000] =	vst v1  }
0xee: {  	[hbm4b:s16+s4] =	stream.linear.scatter [tilespmem:s30], [sflag:$0x2], $0x100, $0x38;
	[tilespmem:$0x1A100] =	vst v63  }
.Ltmp3:
0xef: {  	_ =	swait.ge [sflag:s19], $0x100;
	(pc) =	sbr.rel @p0 .LBB2_1-.Ltmp3, $3  }
0xf0: {  	[sflag:s19] =	ssyncset.done $0x0  }
0xf1: {  	[sflag:s19] =	ssyncadd.s32 $0xFFFFFF00  }
0xf2: {  	[bflag:$0x0] =	sbarrier.arrive $0xFFFF;
	_ =	sdelay $0x1  }
0xf3: {  	_ =	sfence.sel $0x180000  }
0xf4: {  	[bflag:$0x0] =	sbarrier.arrive $0xFFFF  }
0xf5: {  	_ =	strace $0x90000047  }
0xf6: {  	s0 =	stileid.u32;
	[bflag:$0x2] =	sbarrier.arrive $0xFFFF  }
0xf7: {  	p0 =	sne.s32 s0, $0x0;
	s0 =	rddreg [dreg:$0x3]  }
0xf8: {  	s0 =	sadd.s32 @!p0 $0x100000, s0  }
0xf9: {  	[sflag:s0] =	ssyncadd.tile.s32 @!p0 $0x1;
	_ =	shalt  }
.Lfunc_end2:
_tile_overlayer_lowered:
.L_overlay_start_2:
0xfa: {  	(tag) =	ssettag $0x2  }
0xfb: {  	s0 =	rddreg [dreg:$0x0];
	s2 =	stileid.u32  }
0xfc: {  	s1 =	rddreg [dreg:$0x1];
	p0 =	sne.s32 s2, $0x0  }
0xfd: {  	s3 =	rddreg [dreg:$0x2];
	[bflag:$0x3] =	sbarrier.arrive $0xFFFF;
	s2 =	simm.s32 @!p0 $0x1C02  }
0xfe: {  	[timem:s3], [sflag:s2] =	dma.local @!p0 [hbm:s0], s1  }
0xff: {  	s0 =	simm.s32 @!p0 $0x2  }
0x100: {  	_ =	swait.ge @!p0 [sflag:s0], s1  }
0x101: {  	s1 =	ssub.s32 @!p0 $0x0, s1;
	[sflag:s0] =	ssyncset.done @!p0 $0x0  }
0x102: {  	[sflag:s0] =	ssyncadd.s32 @!p0 s1  }
0x103: {  	[bflag:$0x3] =	sbarrier.arrive $0xFFFF  }
0x104: {  	_ =	shalt  }

// kernel: kernel.9.cloned.1.call-start
scs
__scs_entry_jumppad:
0x0: {  	(pc) =	sbr.rel $0x88, $3  }
0x1: {  	(tag) =	ssettag $0x0;
	lr =	simm.s32 $0x1  }
0x2: {  	[smem:$0x3F9F] =	sst lr;
	_ =	strace $0xD0000000  }
0x3: {  	_ = 	snop  }
0x4: {  	_ = 	snop  }
0x5: {  	_ = 	snop  }
0x6: {  	_ = 	snop  }
0x7: {  	_ = 	snop  }
__scs_overlays_trampoline_lowered:
0x8: {  	[smem:$0x3FAE] =	sst s0  }
0x9: {  	[smem:$0x3FAF] =	sst s1  }
0xa: {  	[smem:$0x3FB0] =	sst s2  }
0xb: {  	[smem:$0x3FB1] =	sst s3  }
0xc: {  	[smem:$0x3FB2] =	sst s4  }
0xd: {  	[smem:$0x3FB3] =	sst s5  }
0xe: {  	[smem:$0x3FB4] =	sst s6  }
0xf: {  	[smem:$0x3FB5] =	sst s7  }
0x10: {  	[smem:$0x3FB6] =	sst s8  }
0x11: {  	[smem:$0x3FB7] =	sst s9;
	s0 =	simm.s32 @!p0 $0x0  }
0x12: {  	s1 =	sld [smem:$0x3F9D];
	s0 =	simm.s32 @p0 $0x1  }
0x13: {  	[smem:$0x3FB8] =	sst s0;
	s0 =	simm.s32 @!p1 $0x0  }
0x14: {  	s2 =	sld [smem:$0x3F9C];
	s0 =	simm.s32 @p1 $0x1  }
0x15: {  	[smem:$0x3FB9] =	sst s0;
	s0 =	simm.s32 @!p2 $0x0  }
0x16: {  	s3 =	sld [smem:$0x3FDB];
	s0 =	simm.s32 @p2 $0x1  }
0x17: {  	s4 =	simm.s32 $0x1BF5;
	[smem:$0x3FBB] =	sst s0  }
0x18: {  	s0 =	sld [smem:$0x3F9E];
	_ =	swait.ge [sflag:s4], $0x0  }
0x19: {  	s7 =	sld [smem:$0x3F9F]  }
0x1a: {  	s8 =	sadd.s32 $0xFFFFE003, lr  }
0x1b: {  	s9 =	sadd.s32 $0xFFFFFEF7, lr;
	s5 =	simm.s32 $0xFFFFFFFF;
	p2 =	slt.u32 s8, $0xFFFFF086  }
0x1c: {  	p1 =	slt.u32 s9, $0xF7A;
	s5 =	simm.s32 @!p2 $0x0  }
0x1d: {  	s5 =	simm.s32 @p1 $0x1;
	p0 =	seq.s32 s7, s2  }
0x1e: {  	s7 =	smul.u32 @!p0 $0xF7A, s2;
	p2 =	seq.s32 @!p0 s5, $0x0  }
0x1f: {  	s9 =	smul.u32 $0xF7A, s1;
	s8 =	simm.s32 @!p0 $0x1BF5;
	p2 =	por !p2, p0  }
0x20: {  	[sflag:s8] =	ssyncset.s32 @!p0 $0xFFFFF086;
	s6 =	sadd.s32 @!p0 s3, s7;
	s7 =	simm.s32 @!p0 $0x108  }
0x21: {  	s3 =	sadd.s32 s3, s9;
	s6 =	sadd.s32 @!p0 $0x88, s6;
	s7 =	simm.s32 @p2 $0x1082  }
0x22: {  	[simem:s7], [sflag:s8] =	dma.local @!p0 [hbm:s6], $0xF7A  }
0x23: {  	s9 =	sor.u32 $0xD0000000, s2;
	s6 =	simm.s32 $0x108;
	_ =	swait.ge @!p0 [sflag:s8], $0x0  }
0x24: {  	s3 =	sadd.s32 $0x88, s3;
	s6 =	simm.s32 @!p1 $0x1082;
	[sflag:s4] =	ssyncset.s32 $0xFFFFF086  }
0x25: {  	[simem:s6], [sflag:s4] =	dma.local [hbm:s3], $0xF7A  }
0x26: {  	[smem:$0x3F9F] =	sst s1;
	(tag) =	ssettag s2;
	_ =	strace s9  }
0x27: {  	s1 =	sld [smem:$0x3FAF]  }
0x28: {  	s2 =	sld [smem:$0x3FB0]  }
0x29: {  	s4 =	sld [smem:$0x3FB2]  }
0x2a: {  	p0 =	seq.s32 s5, $0x0;
	s5 =	sld [smem:$0x3FB3]  }
0x2b: {  	s6 =	sld [smem:$0x3FB4]  }
0x2c: {  	s7 =	sld [smem:$0x3FB5]  }
0x2d: {  	s3 =	simm.s32 $0x108;
	s8 =	sld [smem:$0x3FB6]  }
0x2e: {  	s3 =	simm.s32 @!p0 $0x1082;
	s9 =	sld [smem:$0x3FB7]  }
0x2f: {  	lr =	sadd.s32 s0, s3;
	s0 =	sld [smem:$0x3FAE]  }
0x30: {  	s3 =	sld [smem:$0x3FB1]  }
0x31: {  	[smem:$0x3FBA] =	sst s10  }
0x32: {  	s10 =	sld [smem:$0x3FB8];
	_ =	sdelay $0x3  }
0x33: {  	p0 =	seq.s32 s10, $0x1;
	s10 =	sld [smem:$0x3FBA];
	_ =	sdelay $0x3  }
0x34: {  	[smem:$0x3FBA] =	sst s10  }
0x35: {  	s10 =	sld [smem:$0x3FB9];
	_ =	sdelay $0x3  }
0x36: {  	p1 =	seq.s32 s10, $0x1;
	s10 =	sld [smem:$0x3FBA];
	_ =	sdelay $0x3  }
0x37: {  	[smem:$0x3FBA] =	sst s10  }
0x38: {  	s10 =	sld [smem:$0x3FBB]  }
0x39: {  	_ = 	snop;
	(pc) =	sbr.ind lr, $3  }
0x3a: {  	_ = 	snop  }
0x3b: {  	_ = 	snop  }
0x3c: {  	p2 =	seq.s32 s10, $0x1;
	s10 =	sld [smem:$0x3FBA]  }
0x3d: {  	_ =	shalt  }
0x3e: {  	_ =	shalt  }
0x3f: {  	_ =	shalt  }
0x40: {  	_ =	shalt  }
0x41: {  	_ =	shalt  }
0x42: {  	_ =	shalt  }
0x43: {  	_ =	shalt  }
0x44: {  	_ =	shalt  }
0x45: {  	_ =	shalt  }
0x46: {  	_ =	shalt  }
0x47: {  	_ =	shalt  }
0x48: {  	_ =	shalt  }
0x49: {  	_ =	shalt  }
0x4a: {  	_ =	shalt  }
0x4b: {  	_ =	shalt  }
0x4c: {  	_ =	shalt  }
0x4d: {  	_ =	shalt  }
0x4e: {  	_ =	shalt  }
0x4f: {  	_ =	shalt  }
0x50: {  	_ =	shalt  }
0x51: {  	_ =	shalt  }
0x52: {  	_ =	shalt  }
0x53: {  	_ =	shalt  }
0x54: {  	_ =	shalt  }
0x55: {  	_ =	shalt  }
0x56: {  	_ =	shalt  }
0x57: {  	_ =	shalt  }
0x58: {  	_ =	shalt  }
0x59: {  	_ =	shalt  }
0x5a: {  	_ =	shalt  }
0x5b: {  	_ =	shalt  }
0x5c: {  	_ =	shalt  }
0x5d: {  	_ =	shalt  }
0x5e: {  	_ =	shalt  }
0x5f: {  	_ =	shalt  }
0x60: {  	_ =	shalt  }
0x61: {  	_ =	shalt  }
0x62: {  	_ =	shalt  }
0x63: {  	_ =	shalt  }
0x64: {  	_ =	shalt  }
0x65: {  	_ =	shalt  }
0x66: {  	_ =	shalt  }
0x67: {  	_ =	shalt  }
0x68: {  	_ =	shalt  }
0x69: {  	_ =	shalt  }
0x6a: {  	_ =	shalt  }
0x6b: {  	_ =	shalt  }
0x6c: {  	_ =	shalt  }
0x6d: {  	_ =	shalt  }
0x6e: {  	_ =	shalt  }
0x6f: {  	_ =	shalt  }
0x70: {  	_ =	shalt  }
0x71: {  	_ =	shalt  }
0x72: {  	_ =	shalt  }
0x73: {  	_ =	shalt  }
0x74: {  	_ =	shalt  }
0x75: {  	_ =	shalt  }
0x76: {  	_ =	shalt  }
0x77: {  	_ =	shalt  }
0x78: {  	_ =	shalt  }
0x79: {  	_ =	shalt  }
0x7a: {  	_ =	shalt  }
0x7b: {  	_ =	shalt  }
0x7c: {  	_ =	shalt  }
0x7d: {  	_ =	shalt  }
0x7e: {  	_ =	shalt  }
0x7f: {  	_ =	shalt  }
0x80: {  	_ =	shalt  }
0x81: {  	_ =	shalt  }
0x82: {  	_ =	shalt  }
0x83: {  	_ =	shalt  }
0x84: {  	_ =	shalt  }
0x85: {  	_ =	shalt  }
0x86: {  	_ =	shalt  }
0x87: {  	_ =	shalt  }
.Lfunc_end0:
.L_simem_size_0:
called_computation.1_lowered:
.L_overlay_start_0:
0x88: {  	s2 =	sld [smem:$0x3FD9]  }
0x89: {  	s3 =	sld [smem:$0x3FFE];
	_ =	sdelay $0x1  }
0x8a: {  	s1 =	srdreg.scid  }
0x8b: {  	s0 =	sand.u32 $0x1, s1  }
0x8c: {  	s17 =	sshll.u32 s0, $0xA;
	s2 =	sadd.s32 s3, s2  }
0x8d: {  	s2 =	sadd.s32 s2, s17  }
0x8e: {  	[smem:$0x3FC6] =	sst s2  }
0x8f: {  	_ = 	snop  }
0x90: {  	(tm) =	ssettm $0x1  }
0x91: {  	s18 =	sld [smem:$0x3FFB];
	_ =	sdelay $0x3  }
0x92: {  	_ =	strace s18  }
0x93: {  	s2 =	sld [smem:$0x3FFC];
	_ =	sdelay $0x3  }
0x94: {  	_ =	strace s2  }
0x95: {  	s2 =	sld [smem:$0x3FFD];
	_ =	sdelay $0x3  }
0x96: {  	_ =	strace s2  }
0x97: {  	_ =	strace $0x8FFFFFFF  }
0x98: {  	s19 =	sld [smem:$0x3FDB];
	_ =	sdelay $0x1  }
0x99: {  	s20 =	simm.s32 $_scs_section_size  }
0x9a: {  	s4 =	simm.s32 $_size__tile_overlayer_lowered;
	s5 =	simm.s32 $_tile_overlayer_lowered  }
0x9b: {  	s6 =	simm.s32 $0x1BFF;
	s21 =	sshll.u32 s5, $0x1;
	s3 =	sadd.s32 s20, s19  }
0x9c: {  	s22 =	simm.s32 $0x0;
	s4 =	sshll.u32 s4, $0x1;
	s5 =	sadd.s32 s21, s3  }
0x9d: {  	[timem:s22], [sflag:s6] =	dma.local [hbm:s5], s4  }
0x9e: {  	_ =	swait.ge [sflag:s6], s4  }
0x9f: {  	s4 =	ssub.s32 $0x0, s4;
	[sflag:s6] =	ssyncset.done $0x0  }
0xa0: {  	[sflag:s6] =	ssyncadd.s32 s4;
	_ =	sdelay $0x1  }
0xa1: {  	s23 =	simm.s32 $0x1B8B  }
0xa2: {  	_ =	swait.ge [sflag:s23], $0x1  }
0xa3: {  	[sflag:s23] =	ssyncset.done $0x0  }
0xa4: {  	[sflag:s23] =	ssyncadd.s32 $0xFFFFFFFF  }
0xa5: {  	s4 =	sld [smem:$0x0]  }
0xa6: {  	s5 =	sand.u32 $0xFFFFFFFE, s1  }
0xa7: {  	p0 =	sne.s32 s1, s5  }
0xa8: {  	s5 =	sshll.u32 @p0 s5, $0xE  }
0xa9: {  	s5 =	sadd.s32 @p0 $0x11B8D, s5;
	s6 =	sshll.u32 @p0 s4, $0x11  }
0xaa: {  	s5 =	sor.u32 @p0 s6, s5  }
0xab: {  	[sflag:s5] =	ssyncadd.remote.s32 @p0 $0x1;
	_ =	sdelay $0x1  }
0xac: {  	s5 =	simm.s32 @p0 $0x1B8D  }
0xad: {  	_ =	swait.eq @p0 [sflag:s5], $0x1  }
0xae: {  	[sflag:s5] =	ssyncadd.s32 @p0 $0xFFFFFFFF  }
0xaf: {  	s6 =	sshll.u32 @!p0 s1, $0xE  }
0xb0: {  	s6 =	sor.u32 @!p0 $0x4000, s6;
	s5 =	simm.s32 @!p0 $0x1B8D  }
0xb1: {  	s4 =	sshll.u32 @!p0 s4, $0x11;
	s6 =	sadd.s32 @!p0 $0x11B8D, s6;
	_ =	swait.eq @!p0 [sflag:s5], $0x1  }
0xb2: {  	s4 =	sor.u32 @!p0 s4, s6;
	[sflag:s5] =	ssyncadd.s32 @!p0 $0xFFFFFFFF  }
0xb3: {  	s25 =	simm.s32 $0x1B8E;
	s24 =	sld [smem:$0x3FFE];
	[sflag:s4] =	ssyncadd.remote.s32 @!p0 $0x1  }
0xb4: {  	s26 =	simm.s32 $execute0_lowered;
	[smem:$0x3FD2] =	sst s25  }
0xb5: {  	s5 =	sshll.u32 s26, $0x1;
	_ =	strace $0x80000049;
	[dreg:$0x1] =	wrdreg $0xFFFFFFFF  }
0xb6: {  	s28 =	simm.s32 $_size_execute0_lowered;
	s3 =	sadd.s32 s3, s5;
	[dreg:$0x0] =	wrdreg $0x0  }
0xb7: {  	s5 =	sshll.u32 s28, $0x1;
	[dreg:$0x2] =	wrdreg s3  }
0xb8: {  	[dreg:$0x3] =	wrdreg s5  }
0xb9: {  	[dreg:$0x4] =	wrdreg $0xC0  }
0xba: {  	_ =	task [dreg:s22], $0x5FFFF  }
0xbb: {  	[dreg:$0x1] =	wrdreg $0xFFFFFFFF  }
0xbc: {  	[dreg:$0x0] =	wrdreg $0x60  }
0xbd: {  	[dreg:$0x2] =	wrdreg s24  }
0xbe: {  	[dreg:$0x3] =	wrdreg $0x121000  }
0xbf: {  	[dreg:$0x4] =	wrdreg $0x161000  }
0xc0: {  	[dreg:$0x5] =	wrdreg $0xA  }
0xc1: {  	_ =	task.clear_ibuf [dreg:s22], $0x6FFFF;
	_ =	strace $0x90000049  }
0xc2: {  	s29 =	simm.s32 $0xA;
	_ =	strace $0x8000004B  }
0xc3: {  	_ =	swait.ge [sflag:s29], $0x1  }
0xc4: {  	[sflag:s29] =	ssyncadd.s32 $0xFFFFFFFF  }
0xc5: {  	_ =	strace $0x9000004B  }
0xc6: {  	_ =	sfence  }
0xc7: {  	s30 =	sld [smem:$0x0];
	_ =	sdelay $0x2  }
0xc8: {  	s31 =	sshll.u32 s1, $0xD;
	s1 =	sshrl.u32 s1, $0x2  }
0xc9: {  	s4 =	sand.u32 $0x4000, s31;
	s1 =	sadd.s32 s1, s30  }
0xca: {  	s0 =	sor.u32 s4, s0;
	s1 =	sshll.u32 s1, $0x11  }
0xcb: {  	s0 =	sor.u32 s1, s0  }
0xcc: {  	s0 =	sadd.s32 $0x8F2B, s0  }
0xcd: {  	[sflag:s0] =	ssyncadd.remote.s32 $0x1  }
0xce: {  	_ =	sfence.sel $0xFFFF  }
0xcf: {  	[dreg:$0x0] =	wrdreg $0xFFFFFFFF;
	(pc) =	sbr.abs _section_cstart, $3  }
0xd0: {  	[dreg:$0x1] =	wrdreg $0xFFFFFFFF  }
0xd1: {  	_ =	task.clear_ibuf [dreg:s22], $0x2FFFF;
	_ =	strace $0x9FFFFFFF  }
0xd2: {  	(tm) =	ssettm $0x7FFFFFFF  }
0xd3: {  	_ =	shalt  }
tec
execute0_lowered:
.L_overlay_start_1:
0x0: {  	(tag) =	ssettag $0x1  }
0x1: {  	s0 =	rddreg [dreg:$0x0]  }
0x2: {  	s1 =	srdreg.scid;
	s2 =	rddreg [dreg:$0x1]  }
0x3: {  	s10 =	stileid.u32;
	s3 =	rddreg [dreg:$0x2]  }
0x4: {  	s4 =	simm.s32 $0x0;
	s19 =	simm.s32 $0x2;
	s23 =	simm.s32 $0x80  }
0x5: {  	s24 =	simm.s32 $0x1;
	s25 =	simm.s32 $0xC000;
	s28 =	simm.s32 $0x100  }
0x6: {  	s29 =	simm.s32 $0x10000;
	s31 =	simm.s32 $0x0;
	s1 =	sand.u32 $0x1, s1  }
0x7: {  	s8 =	sshll.u32 s10, $0xE;
	[smem:$0x7FF] =	sst s4;
	s15 =	sadd.s32 $0x40C00, s0  }
0x8: {  	s6 =	sshll.u32 s10, $0x5;
	s30 =	sshll.u32 s10, $0x6;
	s12 =	sshll.u32 s10, $0xF  }
0x9: {  	s14 =	sshll.u32 s10, $0x7;
	s5 =	sshll.u32 s1, $0x12;
	_ =	strace $0x8000004A  }
0xa: {  	s7 =	ssub.s32 $0x2, s1;
	s13 =	sshll.u32 s1, $0x7;
	s14 =	sor.u32 $0x40, s14  }
0xb: {  	s1 =	sshll.u32 s1, $0x9;
	s5 =	sor.u32 s8, s5;
	s26 =	sshrl.u32 s7, $0x1  }
0xc: {  	s12 =	sor.u32 s13, s12;
	s16 =	sshll.u32 s14, $0x8;
	s14 =	sshll.u32 s14, $0x7  }
0xd: {  	s5 =	sshrl.u32 s5, $0x3;
	s17 =	ssub.s32 s7, s26;
	s7 =	sor.u32 $0x1C02, s30  }
0xe: {  	s12 =	sshrl.u32 s12, $0x3;
	s16 =	sor.u32 s13, s16;
	s13 =	sadd.s32 s14, s2  }
0xf: {  	s14 =	sadd.s32 s14, s3;
	s26 =	simm.s32 $0xE000;
	s11 =	sadd.s32 s5, s0  }
0x10: {  	s5 =	sadd.s32 $0x40000, s0;
	s0 =	sadd.s32 s6, s0;
	s6 =	sadd.s32 s8, s2  }
0x11: {  	s8 =	sadd.s32 s8, s3;
	s12 =	sadd.s32 s15, s12;
	s16 =	sshrl.u32 s16, $0x3  }
0x12: {  	s17 =	smax.u32 s17, $0x1;
	s9 =	sadd.s32 $0x50C00, s11;
	s10 =	sadd.s32 $0x60C00, s11  }
0x13: {  	s11 =	sadd.s32 $0x70C00, s11;
	s15 =	sadd.s32 s15, s16;
	s0 =	sadd.s32 s1, s0  }
0x14: {  	s18 =	sshrl.u32 s6, $0x3;
	s20 =	sshrl.u32 s8, $0x3;
	s16 =	sadd.s32 $0x80C00, s0  }
.LBB2_1:
0x15: {  	[spmem:s18], [sflag:s7] =	dma.local [hbm:s5], $0x800  }
0x16: {  	_ =	swait.ge [sflag:s19], $0x800  }
0x17: {  	[sflag:s19] =	ssyncset.done $0x0  }
0x18: {  	[sflag:s19] =	ssyncadd.s32 $0xFFFFF800  }
0x19: {  	[spmem:s20], [sflag:s7] =	dma.local [hbm:s5], $0x800  }
0x1a: {  	_ =	swait.ge [sflag:s19], $0x800  }
0x1b: {  	[sflag:s19] =	ssyncset.done $0x0  }
0x1c: {  	[sflag:s19] =	ssyncadd.s32 $0xFFFFF800  }
0x1d: {  	[tilespmem:s4], [sflag:$0x2] =	stream.linear.gather [hbm4b:s9+s4], $0x4000, $0x38;
	[tilespmem:$0x1A100] =	vst v63  }
0x1e: {  	_ =	swait.ge [sflag:s19], $0x4000  }
0x1f: {  	[sflag:s19] =	ssyncset.done $0x0  }
0x20: {  	s0 =	simm.s32 $0x4000;
	[sflag:s19] =	ssyncadd.s32 $0xFFFFC000  }
0x21: {  	[tilespmem:s0], [sflag:$0x2] =	stream.linear.gather [hbm4b:s10+s4], $0x4000, $0x38;
	[tilespmem:$0x1A100] =	vst v63  }
0x22: {  	_ =	swait.ge [sflag:s19], $0x4000  }
0x23: {  	[sflag:s19] =	ssyncset.done $0x0  }
0x24: {  	s21 =	simm.s32 $0x8000;
	[sflag:s19] =	ssyncadd.s32 $0xFFFFC000  }
0x25: {  	[tilespmem:s21], [sflag:$0x2] =	stream.linear.gather [hbm4b:s11+s4], $0x4000, $0x38;
	[tilespmem:$0x1A100] =	vst v63  }
0x26: {  	_ =	swait.ge [sflag:s19], $0x4000  }
0x27: {  	[sflag:s19] =	ssyncset.done $0x0  }
0x28: {  	[sflag:s19] =	ssyncadd.s32 $0xFFFFC000  }
0x29: {  	s22 =	simm.s32 $0x0;
	s1 =	simm.s32 $0x4000;
	[bflag:$0x0] =	sbarrier.arrive $0xFFFF  }
0x2a: {  	[spmem:s2] =	stream.indirect.scatter.add.f32 [tilespmem:s1], [sflag:$0x1], $0x1, s22, s23, $0xb8;
	[tilespmem:$0x1A100] =	vst v63  }
0x2b: {  	s30 =	simm.s32 $0x8000  }
0x2c: {  	[spmem:s3] =	stream.indirect.scatter.add.f32 [tilespmem:s30], [sflag:$0x1], $0x1, s22, s23, $0xb8;
	[tilespmem:$0x1A100] =	vst v63  }
0x2d: {  	s21 =	simm.s32 $0x4080;
	s22 =	simm.s32 $0x80  }
0x2e: {  	[spmem:s2] =	stream.indirect.scatter.add.f32 [tilespmem:s21], [sflag:$0x1], $0x1, s22, s23, $0xb8;
	[tilespmem:$0x1A100] =	vst v63  }
0x2f: {  	s30 =	simm.s32 $0x8080  }
0x30: {  	[spmem:s3] =	stream.indirect.scatter.add.f32 [tilespmem:s30], [sflag:$0x1], $0x1, s22, s23, $0xb8;
	[tilespmem:$0x1A100] =	vst v63  }
0x31: {  	s21 =	simm.s32 $0x4100;
	s22 =	simm.s32 $0x100  }
0x32: {  	[spmem:s2] =	stream.indirect.scatter.add.f32 [tilespmem:s21], [sflag:$0x1], $0x1, s22, s23, $0xb8;
	[tilespmem:$0x1A100] =	vst v63  }
0x33: {  	s30 =	simm.s32 $0x8100  }
0x34: {  	[spmem:s3] =	stream.indirect.scatter.add.f32 [tilespmem:s30], [sflag:$0x1], $0x1, s22, s23, $0xb8;
	[tilespmem:$0x1A100] =	vst v63  }
0x35: {  	s21 =	simm.s32 $0x4180;
	s22 =	simm.s32 $0x180  }
0x36: {  	[spmem:s2] =	stream.indirect.scatter.add.f32 [tilespmem:s21], [sflag:$0x1], $0x1, s22, s23, $0xb8;
	[tilespmem:$0x1A100] =	vst v63  }
0x37: {  	s30 =	simm.s32 $0x8180  }
0x38: {  	[spmem:s3] =	stream.indirect.scatter.add.f32 [tilespmem:s30], [sflag:$0x1], $0x1, s22, s23, $0xb8;
	[tilespmem:$0x1A100] =	vst v63  }
0x39: {  	_ =	swait.ge [sflag:s24], $0x80  }
0x3a: {  	[sflag:s24] =	ssyncset.done $0x0  }
0x3b: {  	[sflag:s24] =	ssyncadd.s32 $0xFFFFFF80  }
0x3c: {  	_ =	swait.ge [sflag:s24], $0x80  }
0x3d: {  	[sflag:s24] =	ssyncset.done $0x0  }
0x3e: {  	[sflag:s24] =	ssyncadd.s32 $0xFFFFFF80  }
0x3f: {  	_ =	swait.ge [sflag:s24], $0x80  }
0x40: {  	[sflag:s24] =	ssyncset.done $0x0  }
0x41: {  	[sflag:s24] =	ssyncadd.s32 $0xFFFFFF80  }
0x42: {  	_ =	swait.ge [sflag:s24], $0x80  }
0x43: {  	[sflag:s24] =	ssyncset.done $0x0  }
0x44: {  	[sflag:s24] =	ssyncadd.s32 $0xFFFFFF80  }
0x45: {  	_ =	swait.ge [sflag:s24], $0x80  }
0x46: {  	[sflag:s24] =	ssyncset.done $0x0  }
0x47: {  	[sflag:s24] =	ssyncadd.s32 $0xFFFFFF80  }
0x48: {  	_ =	swait.ge [sflag:s24], $0x80  }
0x49: {  	[sflag:s24] =	ssyncset.done $0x0  }
0x4a: {  	[sflag:s24] =	ssyncadd.s32 $0xFFFFFF80  }
0x4b: {  	_ =	swait.ge [sflag:s24], $0x80  }
0x4c: {  	[sflag:s24] =	ssyncset.done $0x0  }
0x4d: {  	[sflag:s24] =	ssyncadd.s32 $0xFFFFFF80  }
0x4e: {  	_ =	swait.ge [sflag:s24], $0x80  }
0x4f: {  	s1 =	simm.s32 $0x1000;
	s21 =	simm.s32 $0x200;
	[sflag:s24] =	ssyncset.done $0x0  }
.LBB2_2:
0x50: {  	s30 =	sadd.s32 $0x4000, s21  }
0x51: {  	[sflag:s24] =	ssyncadd.s32 $0xFFFFFF80;
	s0 =	smov.u32 s1;
	s22 =	sadd.s32 $0x800, s1  }
0x52: {  	[spmem:s2] =	stream.indirect.scatter.add.f32 [tilespmem:s30], [sflag:$0x1], $0x1, s21, s23, $0xb8;
	[tilespmem:$0x1A100] =	vst v63  }
0x53: {  	p0 =	sne.s32 s1, $0xF800;
	s1 =	sadd.s32 $0x8000, s21  }
0x54: {  	[spmem:s3] =	stream.indirect.scatter.add.f32 [tilespmem:s1], [sflag:$0x1], $0x1, s21, s23, $0xb8;
	[tilespmem:$0x1A100] =	vst v63  }
0x55: {  	s30 =	sadd.s32 $0x80, s21;
	s1 =	sadd.s32 $0x4080, s21  }
0x56: {  	[spmem:s2] =	stream.indirect.scatter.add.f32 [tilespmem:s1], [sflag:$0x1], $0x1, s30, s23, $0xb8;
	[tilespmem:$0x1A100] =	vst v63  }
0x57: {  	s1 =	sadd.s32 $0x8080, s21  }
0x58: {  	[spmem:s3] =	stream.indirect.scatter.add.f32 [tilespmem:s1], [sflag:$0x1], $0x1, s30, s23, $0xb8;
	[tilespmem:$0x1A100] =	vst v63  }
0x59: {  	s1 =	sadd.s32 $0x4100, s21;
	s30 =	sadd.s32 $0x100, s21  }
0x5a: {  	[spmem:s2] =	stream.indirect.scatter.add.f32 [tilespmem:s1], [sflag:$0x1], $0x1, s30, s23, $0xb8;
	[tilespmem:$0x1A100] =	vst v63  }
0x5b: {  	s1 =	sadd.s32 $0x8100, s21  }
0x5c: {  	[spmem:s3] =	stream.indirect.scatter.add.f32 [tilespmem:s1], [sflag:$0x1], $0x1, s30, s23, $0xb8;
	[tilespmem:$0x1A100] =	vst v63  }
0x5d: {  	s1 =	sadd.s32 $0x4180, s21;
	s30 =	sadd.s32 $0x180, s21  }
0x5e: {  	[spmem:s2] =	stream.indirect.scatter.add.f32 [tilespmem:s1], [sflag:$0x1], $0x1, s30, s23, $0xb8;
	[tilespmem:$0x1A100] =	vst v63  }
0x5f: {  	s1 =	sadd.s32 $0x8180, s21  }
0x60: {  	[spmem:s3] =	stream.indirect.scatter.add.f32 [tilespmem:s1], [sflag:$0x1], $0x1, s30, s23, $0xb8;
	[tilespmem:$0x1A100] =	vst v63  }
0x61: {  	_ =	swait.ge [sflag:s24], $0x80  }
0x62: {  	[sflag:s24] =	ssyncset.done $0x0  }
0x63: {  	[sflag:s24] =	ssyncadd.s32 $0xFFFFFF80  }
0x64: {  	_ =	swait.ge [sflag:s24], $0x80  }
0x65: {  	[sflag:s24] =	ssyncset.done $0x0  }
0x66: {  	[sflag:s24] =	ssyncadd.s32 $0xFFFFFF80  }
0x67: {  	_ =	swait.ge [sflag:s24], $0x80  }
0x68: {  	[sflag:s24] =	ssyncset.done $0x0  }
0x69: {  	[sflag:s24] =	ssyncadd.s32 $0xFFFFFF80  }
0x6a: {  	_ =	swait.ge [sflag:s24], $0x80  }
0x6b: {  	[sflag:s24] =	ssyncset.done $0x0  }
0x6c: {  	[sflag:s24] =	ssyncadd.s32 $0xFFFFFF80  }
0x6d: {  	_ =	swait.ge [sflag:s24], $0x80  }
0x6e: {  	[sflag:s24] =	ssyncset.done $0x0  }
0x6f: {  	[sflag:s24] =	ssyncadd.s32 $0xFFFFFF80  }
0x70: {  	_ =	swait.ge [sflag:s24], $0x80  }
0x71: {  	[sflag:s24] =	ssyncset.done $0x0  }
0x72: {  	[sflag:s24] =	ssyncadd.s32 $0xFFFFFF80  }
.Ltmp0:
0x73: {  	_ =	swait.ge [sflag:s24], $0x80;
	(pc) =	sbr.rel @p0 .LBB2_2-.Ltmp0, $4  }
0x74: {  	[sflag:s24] =	ssyncset.done $0x0  }
0x75: {  	[sflag:s24] =	ssyncadd.s32 $0xFFFFFF80  }
0x76: {  	_ =	swait.ge [sflag:s24], $0x80  }
0x77: {  	s21 =	sshra.s32 s0, $0x2;
	s1 =	smov.u32 s22;
	[sflag:s24] =	ssyncset.done $0x0  }
0x78: {  	s0 =	sadd.s32 $0x4000, s21;
	[sflag:s24] =	ssyncadd.s32 $0xFFFFFF80  }
0x79: {  	[spmem:s2] =	stream.indirect.scatter.add.f32 [tilespmem:s0], [sflag:$0x1], $0x1, s21, s23, $0xb8;
	[tilespmem:$0x1A100] =	vst v63  }
0x7a: {  	s1 =	sadd.s32 $0x8000, s21  }
0x7b: {  	[spmem:s3] =	stream.indirect.scatter.add.f32 [tilespmem:s1], [sflag:$0x1], $0x1, s21, s23, $0xb8;
	[tilespmem:$0x1A100] =	vst v63  }
0x7c: {  	s22 =	sadd.s32 $0x4080, s21;
	s1 =	sadd.s32 $0x80, s21  }
0x7d: {  	[spmem:s2] =	stream.indirect.scatter.add.f32 [tilespmem:s22], [sflag:$0x1], $0x1, s1, s23, $0xb8;
	[tilespmem:$0x1A100] =	vst v63  }
0x7e: {  	s30 =	sadd.s32 $0x8080, s21  }
0x7f: {  	[spmem:s3] =	stream.indirect.scatter.add.f32 [tilespmem:s30], [sflag:$0x1], $0x1, s1, s23, $0xb8;
	[tilespmem:$0x1A100] =	vst v63  }
0x80: {  	s22 =	sadd.s32 $0x100, s21;
	s1 =	sadd.s32 $0x4100, s21  }
0x81: {  	[spmem:s2] =	stream.indirect.scatter.add.f32 [tilespmem:s1], [sflag:$0x1], $0x1, s22, s23, $0xb8;
	[tilespmem:$0x1A100] =	vst v63  }
0x82: {  	s30 =	sadd.s32 $0x8100, s21  }
0x83: {  	[spmem:s3] =	stream.indirect.scatter.add.f32 [tilespmem:s30], [sflag:$0x1], $0x1, s22, s23, $0xb8;
	[tilespmem:$0x1A100] =	vst v63  }
0x84: {  	s22 =	sadd.s32 $0x4180, s21;
	s30 =	sadd.s32 $0x180, s21  }
0x85: {  	[spmem:s2] =	stream.indirect.scatter.add.f32 [tilespmem:s22], [sflag:$0x1], $0x1, s30, s23, $0xb8;
	[tilespmem:$0x1A100] =	vst v63  }
0x86: {  	s22 =	sadd.s32 $0x8180, s21  }
0x87: {  	[spmem:s3] =	stream.indirect.scatter.add.f32 [tilespmem:s22], [sflag:$0x1], $0x1, s30, s23, $0xb8;
	[tilespmem:$0x1A100] =	vst v63  }
0x88: {  	_ =	swait.ge [sflag:s24], $0x80  }
0x89: {  	[sflag:s24] =	ssyncset.done $0x0  }
0x8a: {  	[sflag:s24] =	ssyncadd.s32 $0xFFFFFF80  }
0x8b: {  	_ =	swait.ge [sflag:s24], $0x80  }
0x8c: {  	[sflag:s24] =	ssyncset.done $0x0  }
0x8d: {  	[sflag:s24] =	ssyncadd.s32 $0xFFFFFF80  }
0x8e: {  	_ =	swait.ge [sflag:s24], $0x80  }
0x8f: {  	[sflag:s24] =	ssyncset.done $0x0  }
0x90: {  	[sflag:s24] =	ssyncadd.s32 $0xFFFFFF80  }
0x91: {  	_ =	swait.ge [sflag:s24], $0x80  }
0x92: {  	[sflag:s24] =	ssyncset.done $0x0  }
0x93: {  	[sflag:s24] =	ssyncadd.s32 $0xFFFFFF80  }
0x94: {  	_ =	swait.ge [sflag:s24], $0x80  }
0x95: {  	[sflag:s24] =	ssyncset.done $0x0  }
0x96: {  	[sflag:s24] =	ssyncadd.s32 $0xFFFFFF80  }
0x97: {  	_ =	swait.ge [sflag:s24], $0x80  }
0x98: {  	[sflag:s24] =	ssyncset.done $0x0  }
0x99: {  	[sflag:s24] =	ssyncadd.s32 $0xFFFFFF80  }
0x9a: {  	_ =	swait.ge [sflag:s24], $0x80  }
0x9b: {  	[sflag:s24] =	ssyncset.done $0x0  }
0x9c: {  	[sflag:s24] =	ssyncadd.s32 $0xFFFFFF80  }
0x9d: {  	_ =	swait.ge [sflag:s24], $0x80  }
0x9e: {  	[sflag:s24] =	ssyncset.done $0x0  }
0x9f: {  	[sflag:s24] =	ssyncadd.s32 $0xFFFFFF80  }
0xa0: {  	[bflag:$0x0] =	sbarrier.arrive $0xFFFF  }
0xa1: {  	[tilespmem:s25], [sflag:$0x2] =	stream.linear.gather [spmem:s6], $0x2000, $0x38;
	[tilespmem:$0x1A100] =	vst v63  }
0xa2: {  	_ =	swait.ge [sflag:s19], $0x2000  }
0xa3: {  	[sflag:s19] =	ssyncset.done $0x0  }
0xa4: {  	[sflag:s19] =	ssyncadd.s32 $0xFFFFE000  }
0xa5: {  	[tilespmem:s26], [sflag:$0x2] =	stream.linear.gather [spmem:s8], $0x2000, $0x38;
	[tilespmem:$0x1A100] =	vst v63  }
0xa6: {  	_ =	swait.ge [sflag:s19], $0x2000  }
0xa7: {  	[sflag:s19] =	ssyncset.done $0x0  }
0xa8: {  	[sflag:s19] =	ssyncadd.s32 $0xFFFFE000  }
0xa9: {  	[tilespmem:s29], [sflag:$0x2] =	stream.strided.gather [hbm4b:s12+s23], $0x2000, s28, s23, $0x38;
	[tilespmem:$0x1A100] =	vst v63  }
0xaa: {  	_ =	swait.ge [sflag:s19], $0x2000  }
0xab: {  	[sflag:s19] =	ssyncset.done $0x0  }
0xac: {  	s30 =	simm.s32 $0x0;
	[sflag:s19] =	ssyncadd.s32 $0xFFFFE000  }
0xad: {  	v0 =	vld [tilespmem:s30+$0xE000];
	_ =	sdelay $0x4  }
0xae: {  	v0 =	vadd.f32 $9.999999970e-07, v0  }
0xaf: {  	s1 =	simm.s32 $0x10  }
0xb0: {  	(erf) = vrcp.f32 v0;
	v0 =	vld [tilespmem:s1+$0xE000];
	_ =	sdelay $0x3  }
0xb1: {  	v1 =	vld [tilespmem:s30+$0xC000]  }
0xb2: {  	s0 =	simm.s32 $0x20;
	v3 =	vadd.f32 $9.999999970e-07, v0  }
0xb3: {  	v6 =	vld [tilespmem:s0+$0xE000]  }
0xb4: {  	v2 =	vld [tilespmem:s30+$0x10000];
	(erf) = vrcp.f32 v3;
	_ =	sdelay $0x1  }
0xb5: {  	v4 =	vadd.f32 $9.999999970e-07, v1  }
0xb6: {  	s21 =	simm.s32 $0xC0;
	v1 =	vimm.f32 $0.0e+00;
	v0 =	vimm.f32 $0.0e+00;
	v3 =	vld [tilespmem:s1+$0xC000];
	v5 =	vpop (erf)  }
.LBB2_4:
0xb7: {  	s22 =	sshra.s32 s21, $0x2;
	p0 =	sne.s32 s21, $0x7FC0;
	s21 =	sadd.s32 $0x40, s21;
	v7 =	vadd.f32 $9.999999970e-07, v6;
	v4 =	vmul.f32 v5, v4  }
.Ltmp1:
0xb8: {  	v6 =	vld [tilespmem:s22+$0xE000];
	vm0 =	vgt.f32 v2, $0.0e+00;
	v0 =	vadd.f32 v2, v0;
	(pc) =	sbr.rel @p0 .LBB2_4-.Ltmp1, $4  }
0xb9: {  	(erf) = vrcp.f32 v7;
	v2 =	vld [tilespmem:s1+$0x10000];
	v4 =	vnsel vm0, $0x0, v4;
	s1 =	smov.u32 s0;
	s0 =	smov.u32 s22  }
0xba: {  	v1 =	vadd.f32 v4, v1  }
0xbb: {  	v4 =	vadd.f32 $9.999999970e-07, v3  }
0xbc: {  	v3 =	vld [tilespmem:s1+$0xC000];
	v5 =	vpop (erf)  }
0xbd: {  	v6 =	vadd.f32 $9.999999970e-07, v6;
	_ =	sdelay $0x1  }
0xbe: {  	(erf) = vrcp.f32 v6;
	_ =	sdelay $0x6  }
0xbf: {  	v7 =	vld [tilespmem:s0+$0xC000]  }
0xc0: {  	v9 =	vld [tilespmem:s0+$0x10000];
	v8 =	vpop (erf)  }
0xc1: {  	v6 =	vld [tilespmem:s1+$0x10000];
	[tilespmem:s25], [sflag:$0x2] =	stream.linear.gather [spmem:s13], $0x2000, $0x38;
	v10 =	vpop (erf)  }
0xc2: {  	_ =	swait.ge [sflag:s19], $0x2000  }
0xc3: {  	[sflag:s19] =	ssyncset.done $0x0  }
0xc4: {  	[sflag:s19] =	ssyncadd.s32 $0xFFFFE000  }
0xc5: {  	[tilespmem:s26], [sflag:$0x2] =	stream.linear.gather [spmem:s14], $0x2000, $0x38;
	[tilespmem:$0x1A100] =	vst v63  }
0xc6: {  	_ =	swait.ge [sflag:s19], $0x2000  }
0xc7: {  	[sflag:s19] =	ssyncset.done $0x0  }
0xc8: {  	[sflag:s19] =	ssyncadd.s32 $0xFFFFE000  }
0xc9: {  	[tilespmem:s29], [sflag:$0x2] =	stream.strided.gather [hbm4b:s15+s23], $0x2000, s28, s23, $0x38;
	[tilespmem:$0x1A100] =	vst v63  }
0xca: {  	_ =	swait.ge [sflag:s19], $0x2000  }
0xcb: {  	[sflag:s19] =	ssyncset.done $0x0  }
0xcc: {  	s21 =	simm.s32 $0x0;
	[sflag:s19] =	ssyncadd.s32 $0xFFFFE000  }
0xcd: {  	v11 =	vld [tilespmem:s21+$0xE000];
	_ =	sdelay $0x4  }
0xce: {  	s0 =	simm.s32 $0x10;
	v11 =	vadd.f32 $9.999999970e-07, v11  }
0xcf: {  	v4 =	vmul.f32 v5, v4;
	v5 =	vld [tilespmem:s0+$0xE000]  }
0xd0: {  	v3 =	vadd.f32 $9.999999970e-07, v3;
	(erf) = vrcp.f32 v11  }
0xd1: {  	vm0 =	vgt.f32 v2, $0.0e+00  }
0xd2: {  	v0 =	vadd.f32 v2, v0;
	v2 =	vnsel vm0, $0x0, v4;
	v3 =	vmul.f32 v8, v3  }
0xd3: {  	v1 =	vadd.f32 v2, v1;
	v4 =	vadd.f32 $9.999999970e-07, v7;
	vm14 =	vgt.f32 v6, $0.0e+00;
	v7 =	vld [tilespmem:s21+$0xC000]  }
0xd4: {  	s1 =	simm.s32 $0x20;
	v3 =	vnsel vm14, $0x0, v3;
	v5 =	vadd.f32 $9.999999970e-07, v5  }
0xd5: {  	v2 =	vmul.f32 v10, v4;
	v4 =	vadd.f32 v3, v1;
	v3 =	vld [tilespmem:s1+$0xE000]  }
0xd6: {  	v1 =	vld [tilespmem:s21+$0x10000];
	(erf) = vrcp.f32 v5  }
0xd7: {  	vm15 =	vgt.f32 v9, $0.0e+00;
	v0 =	vadd.f32 v6, v0  }
0xd8: {  	v2 =	vnsel vm15, $0x0, v2;
	v5 =	vadd.f32 $9.999999970e-07, v7  }
0xd9: {  	v0 =	vadd.f32 v9, v0;
	v2 =	vadd.f32 v2, v4;
	s21 =	simm.s32 $0xC0;
	v4 =	vld [tilespmem:s0+$0xC000];
	v6 =	vpop (erf)  }
.LBB2_6:
0xda: {  	s22 =	sshra.s32 s21, $0x2;
	p0 =	sne.s32 s21, $0x7FC0;
	s21 =	sadd.s32 $0x40, s21;
	v7 =	vadd.f32 $9.999999970e-07, v3;
	v5 =	vmul.f32 v6, v5  }
.Ltmp2:
0xdb: {  	v3 =	vld [tilespmem:s22+$0xE000];
	vm0 =	vgt.f32 v1, $0.0e+00;
	v0 =	vadd.f32 v1, v0;
	(pc) =	sbr.rel @p0 .LBB2_6-.Ltmp2, $4  }
0xdc: {  	(erf) = vrcp.f32 v7;
	v1 =	vld [tilespmem:s0+$0x10000];
	v5 =	vnsel vm0, $0x0, v5;
	s0 =	smov.u32 s1;
	s1 =	smov.u32 s22  }
0xdd: {  	v2 =	vadd.f32 v5, v2  }
0xde: {  	v5 =	vadd.f32 $9.999999970e-07, v4  }
0xdf: {  	v4 =	vld [tilespmem:s0+$0xC000];
	v6 =	vpop (erf)  }
0xe0: {  	v3 =	vadd.f32 $9.999999970e-07, v3;
	_ =	sdelay $0x1  }
0xe1: {  	(erf) = vrcp.f32 v3;
	_ =	sdelay $0x2  }
0xe2: {  	v59 =	vld [tilespmem:s1+$0xC000]  }
0xe3: {  	v7 =	vld [tilespmem:s0+$0x10000];
	_ =	sdelay $0x1  }
0xe4: {  	v5 =	vmul.f32 v6, v5;
	v60 =	vld [tilespmem:s1+$0x10000];
	v4 =	vadd.f32 $9.999999970e-07, v4  }
0xe5: {  	vm0 =	vgt.f32 v1, $0.0e+00;
	v0 =	vadd.f32 v1, v0;
	v8 =	vpop (erf)  }
0xe6: {  	v5 =	vnsel vm0, $0x0, v5;
	v3 =	vadd.f32 $9.999999970e-07, v59;
	v4 =	vmul.f32 v8, v4  }
0xe7: {  	v2 =	vadd.f32 v5, v2;
	vm14 =	vgt.f32 v7, $0.0e+00;
	v61 =	vpop (erf)  }
0xe8: {  	v0 =	vadd.f32 v7, v0;
	v62 =	vnsel vm14, $0x0, v4;
	v3 =	vmul.f32 v61, v3  }
0xe9: {  	vm15 =	vgt.f32 v60, $0.0e+00;
	v1 =	vadd.f32 v62, v2  }
0xea: {  	v0 =	vadd.f32 v60, v0;
	v63 =	vnsel vm15, $0x0, v3  }
0xeb: {  	v1 =	vadd.f32 v63, v1  }
0xec: {  	s31 =	sadd.s32 $0x1, s31;
	[tilespmem:$0x12080] =	vst v0  }
0xed: {  	s30 =	simm.s32 $0x12000;
	p0 =	sne.s32 s31, s17;
	[tilespmem:$0x12000] =	vst v1  }
0xee: {  	[hbm4b:s16+s4] =	stream.linear.scatter [tilespmem:s30], [sflag:$0x2], $0x100, $0x38;
	[tilespmem:$0x1A100] =	vst v63  }
.Ltmp3:
0xef: {  	_ =	swait.ge [sflag:s19], $0x100;
	(pc) =	sbr.rel @p0 .LBB2_1-.Ltmp3, $3  }
0xf0: {  	[sflag:s19] =	ssyncset.done $0x0  }
0xf1: {  	[sflag:s19] =	ssyncadd.s32 $0xFFFFFF00  }
0xf2: {  	[bflag:$0x0] =	sbarrier.arrive $0xFFFF;
	_ =	sdelay $0x1  }
0xf3: {  	_ =	sfence.sel $0x180000  }
0xf4: {  	[bflag:$0x0] =	sbarrier.arrive $0xFFFF  }
0xf5: {  	_ =	strace $0x9000004A  }
0xf6: {  	s0 =	stileid.u32;
	[bflag:$0x2] =	sbarrier.arrive $0xFFFF  }
0xf7: {  	p0 =	sne.s32 s0, $0x0;
	s0 =	rddreg [dreg:$0x3]  }
0xf8: {  	s0 =	sadd.s32 @!p0 $0x100000, s0  }
0xf9: {  	[sflag:s0] =	ssyncadd.tile.s32 @!p0 $0x1;
	_ =	shalt  }
.Lfunc_end2:
_tile_overlayer_lowered:
.L_overlay_start_2:
0xfa: {  	(tag) =	ssettag $0x2  }
0xfb: {  	s0 =	rddreg [dreg:$0x0];
	s2 =	stileid.u32  }
0xfc: {  	s1 =	rddreg [dreg:$0x1];
	p0 =	sne.s32 s2, $0x0  }
0xfd: {  	s3 =	rddreg [dreg:$0x2];
	[bflag:$0x3] =	sbarrier.arrive $0xFFFF;
	s2 =	simm.s32 @!p0 $0x1C02  }
0xfe: {  	[timem:s3], [sflag:s2] =	dma.local @!p0 [hbm:s0], s1  }
0xff: {  	s0 =	simm.s32 @!p0 $0x2  }
0x100: {  	_ =	swait.ge @!p0 [sflag:s0], s1  }
0x101: {  	s1 =	ssub.s32 @!p0 $0x0, s1;
	[sflag:s0] =	ssyncset.done @!p0 $0x0  }
0x102: {  	[sflag:s0] =	ssyncadd.s32 @!p0 s1  }
0x103: {  	[bflag:$0x3] =	sbarrier.arrive $0xFFFF  }
0x104: {  	_ =	shalt  }

</sc_bundles>
